<compile_context>
chip_gen: v7x
topology: tpu7x:2x2x1
jax: 0.10.2.dev20260603
libtpu: 0.0.44.dev20260713+nightly
codegen_flags: <defaults>
</compile_context>

<pallas_src>
import functools

import jax
import jax.numpy as jnp
from jax import lax
from jax.experimental import pallas as pl
from jax.experimental.pallas import tpu as pltpu
from jax.experimental.pallas import tpu_sc as plsc

_N = 8
_M = 20
_L = 16
_BIG = 1e30

_mesh = plsc.VectorSubcoreMesh(core_axis_name="c", subcore_axis_name="s",
                               num_cores=1)


@functools.partial(
    pl.kernel,
    mesh=_mesh,
    compiler_params=pltpu.CompilerParams(needs_layout_passes=False),
    out_type=jax.ShapeDtypeStruct((_N, _L), jnp.float32),
    scratch_types=[
        pltpu.VMEM((2 * _N + _M, 3), jnp.float32),
        pltpu.VMEM((_M, 2, _L), jnp.float32),
        pltpu.VMEM((_L,), jnp.float32),
    ],
)
def _bf_widest_sc(loc_hbm, out_hbm, loc_v, w_v, res_v):
    s = lax.axis_index("s")
    c = lax.axis_index("c")
    lane = lax.broadcasted_iota(jnp.int32, (_L,), 0)
    pad_hi = (lane + _L) >= _M
    big = jnp.full((_L,), _BIG, jnp.float32)
    zero = jnp.zeros((_L,), jnp.int32)

    @pl.when(jnp.logical_and(c == 0, s < _N))
    def _work():
        pltpu.sync_copy(loc_hbm, loc_v)

        row0 = lane + 2 * _N
        row1 = jnp.minimum(row0 + _L, 2 * _N + _M - 1)
        ux0 = plsc.load_gather(loc_v, [row0, zero])
        uy0 = plsc.load_gather(loc_v, [row0, zero + 1])
        uz0 = plsc.load_gather(loc_v, [row0, zero + 2])
        ux1 = plsc.load_gather(loc_v, [row1, zero])
        uy1 = plsc.load_gather(loc_v, [row1, zero + 1])
        uz1 = plsc.load_gather(loc_v, [row1, zero + 2])

        def sqdist(px, py, pz):
            dx0, dy0, dz0 = ux0 - px, uy0 - py, uz0 - pz
            dx1, dy1, dz1 = ux1 - px, uy1 - py, uz1 - pz
            d0 = dx0 * dx0 + dy0 * dy0 + dz0 * dz0
            d1 = dx1 * dx1 + dy1 * dy1 + dz1 * dz1
            return d0, jnp.where(pad_hi, big, d1)

        for v in range(_M):
            vx = (ux0 if v < _L else ux1)[v % _L]
            vy = (uy0 if v < _L else uy1)[v % _L]
            vz = (uz0 if v < _L else uz1)[v % _L]
            d0, d1 = sqdist(vx, vy, vz)
            w_v[v, 0] = d0
            w_v[v, 1] = d1

        srow = zero + s
        drow = zero + (s + _N)
        a0, a1 = sqdist(plsc.load_gather(loc_v, [srow, zero]),
                        plsc.load_gather(loc_v, [srow, zero + 1]),
                        plsc.load_gather(loc_v, [srow, zero + 2]))
        b0, b1 = sqdist(plsc.load_gather(loc_v, [drow, zero]),
                        plsc.load_gather(loc_v, [drow, zero + 1]),
                        plsc.load_gather(loc_v, [drow, zero + 2]))

        def sweep(_, carry):
            f0, f1 = carry
            acc0, acc1 = f0, f1
            for v in range(_M):
                fv = jnp.full((_L,), (f0 if v < _L else f1)[v % _L])
                acc0 = jnp.minimum(acc0, jnp.maximum(fv, w_v[v, 0]))
                acc1 = jnp.minimum(acc1, jnp.maximum(fv, w_v[v, 1]))
            return acc0, acc1

        f0, f1 = lax.fori_loop(0, _M - 1, sweep, (a0, a1))

        m = jnp.minimum(jnp.maximum(f0, b0), jnp.maximum(f1, b1))
        vals = [m[i] for i in range(_L)]
        while len(vals) > 1:
            vals = [jnp.minimum(vals[2 * i], vals[2 * i + 1])
                    for i in range(len(vals) // 2)]
        ans_sq = vals[0]

        asq = jnp.full((_L,), ans_sq)
        bits = lax.bitcast_convert_type(asq, jnp.int32)
        y = lax.bitcast_convert_type((bits >> 1) + jnp.int32(0x1FBD1DF5),
                                     jnp.float32)
        for _ in range(4):
            y = jnp.float32(0.5) * (y + asq / y)

        res_v[...] = y
        pltpu.sync_copy(res_v, out_hbm.at[s])


def _mean_tc(x_ref, o_ref):
    o_ref[...] = jnp.sum(x_ref[...], keepdims=True).reshape(1, 1) * (
        1.0 / (_N * _L))


def kernel(locations):
    per_pair = _bf_widest_sc(locations.astype(jnp.float32))
    out = pl.pallas_call(
        _mean_tc,
        out_shape=jax.ShapeDtypeStruct((1, 1), jnp.float32),
    )(per_pair)
    return out.reshape(())

# --- scband reference (transcript-rebuilt; emitter-appended) ---
"""Pipeline reference for scband-bfloss-55602646614218 (READ-ONLY COPY).

The authoritative reference and input builder live on the scoring server;
editing this copy changes nothing except your own understanding.
"""

import jax, jax.numpy as jnp
import numpy as np

jax.config.update("jax_enable_x64", True)

N = 8
M = 20


def _euclidean_np(a, b):
    sum_sq_a = np.sum(a ** 2, axis=1, keepdims=True)
    sum_sq_b = np.sum(b ** 2, axis=1)[np.newaxis, :]
    return np.sqrt(np.abs(sum_sq_a + sum_sq_b - 2.0 * np.matmul(a, b.T)))


def _search_maps_BF(loc_np, n, m):
    uav_location = loc_np[2 * n:]
    dist_mat = _euclidean_np(uav_location, loc_np)
    map_list = []
    for i in range(n):
        uav_map = dist_mat[:, 2 * n:]
        uav_user = dist_mat[:, [i, i + n]]
        map_i = np.concatenate([uav_user, uav_map], axis=1)
        users_map = uav_user.T
        users_map = np.concatenate([np.zeros((2, 2)), users_map], axis=1)
        map_i = np.concatenate([users_map, map_i], axis=0)
        map_list.append(map_i)
    edge_src = np.array([0 for _ in range(m)])
    edge_dst = np.arange(2, m + 2)
    edge_src = np.concatenate([edge_src, np.arange(2, m + 2), np.repeat(np.arange(2, m + 2), repeats=m, axis=0)], axis=0)
    edge_dst = np.concatenate([edge_dst, np.full_like(edge_dst, 1)], axis=0)
    uav_dst = np.repeat(np.expand_dims(np.arange(2, m + 2), axis=0), m, axis=0).reshape(-1, 1).squeeze(1)
    edge_dst = np.concatenate([edge_dst, uav_dst], axis=0)
    best_path_list = []
    for map_i in map_list:
        max_edge = [np.inf for _ in range(m + 2)]
        max_edge[0] = 0
        max_edge_path = [[] for _ in range(m + 2)]
        max_edge_path[0] = [0]
        for _ in range(m + 2):
            for i, j in zip(edge_src, edge_dst):
                if i != j and np.max([max_edge[i], map_i[i][j]]) < max_edge[j]:
                    max_edge[j] = np.max([max_edge[i], map_i[i][j]])
                    max_edge_path[j] = max_edge_path[i].copy()
                    max_edge_path[j].append(j)
        best_path_list.append(np.array(max_edge_path[1]))
    return best_path_list


def setup_inputs(seed: int = 0) -> dict:
    key = jax.random.key(seed)
    locations = jax.random.uniform(key, (2 * N + M, 3), dtype=jnp.float32) * 100.0
    return {"locations": locations}


def reference(locations):
    n, m = N, M
    loc64 = locations.astype(jnp.float64)
    uav_location = loc64[2 * n:]
    sum_sq_a = jnp.sum(uav_location ** 2, axis=1, keepdims=True)
    sum_sq_b = jnp.sum(loc64 ** 2, axis=1)[jnp.newaxis, :]
    dist_mat = jnp.sqrt(jnp.abs(sum_sq_a + sum_sq_b - 2.0 * jnp.matmul(uav_location, loc64.T)))
    uav_map = dist_mat[:, 2 * n:]
    edge_src_np = np.array([0 for _ in range(m)])
    edge_dst_np = np.arange(2, m + 2)
    edge_src_np = np.concatenate([edge_src_np, np.arange(2, m + 2), np.repeat(np.arange(2, m + 2), repeats=m, axis=0)], axis=0)
    edge_dst_np = np.concatenate([edge_dst_np, np.full_like(edge_dst_np, 1)], axis=0)
    uav_dst = np.repeat(np.expand_dims(np.arange(2, m + 2), axis=0), m, axis=0).reshape(-1, 1).squeeze(1)
    edge_dst_np = np.concatenate([edge_dst_np, uav_dst], axis=0)
    keep = edge_src_np != edge_dst_np
    src = jnp.asarray(edge_src_np[keep], dtype=jnp.int32)
    dst = jnp.asarray(edge_dst_np[keep], dtype=jnp.int32)
    num_edges = int(np.sum(keep))
    positions = jnp.arange(m + 2)
    best_snr = []
    for i in range(n):
        uav_user = jnp.stack([dist_mat[:, i], dist_mat[:, i + n]], axis=1)
        users_map = jnp.concatenate([jnp.zeros((2, 2), dtype=dist_mat.dtype), uav_user.T], axis=1)
        lower_map = jnp.concatenate([uav_user, uav_map], axis=1)
        map_i = jnp.concatenate([users_map, lower_map], axis=0)

        max_edge0 = jnp.full((m + 2,), jnp.inf, dtype=map_i.dtype).at[0].set(0.0)
        paths0 = jnp.zeros((m + 2, m + 2), dtype=jnp.int32)
        lens0 = jnp.zeros((m + 2,), dtype=jnp.int32).at[0].set(1)

        def edge_body(e, st):
            max_edge, paths, lens = st
            a = src[e]
            b = dst[e]
            cand = jnp.maximum(max_edge[a], map_i[a, b])
            upd = cand < max_edge[b]
            new_row = paths[a].at[lens[a]].set(b)
            max_edge = max_edge.at[b].set(jnp.where(upd, cand, max_edge[b]))
            paths = paths.at[b].set(jnp.where(upd, new_row, paths[b]))
            lens = lens.at[b].set(jnp.where(upd, lens[a] + 1, lens[b]))
            return (max_edge, paths, lens)

        def round_body(r, st):
            return jax.lax.fori_loop(0, num_edges, edge_body, st)

        max_edge, paths, lens = jax.lax.fori_loop(0, m + 2, round_body, (max_edge0, paths0, lens0))
        path_row = paths[1]
        path_len = lens[1]
        idx = path_row + 2 * (N - 1)
        idx = jnp.where(positions == 0, i, idx)
        idx = jnp.where(positions == path_len - 1, i + N, idx)
        diffs = locations[idx[:-1]] - locations[idx[1:]]
        hop_dist = jnp.linalg.norm(diffs, axis=1)
        valid = positions[:-1] < (path_len - 1)
        best_snr.append(jnp.max(jnp.where(valid, hop_dist, -jnp.inf)))
    return jnp.mean(jnp.stack(best_snr))

if __name__ == "__main__":
    import jax
    _d = setup_inputs()
    print(jax.jit(kernel)(*tuple(_d.values())))

</pallas_src>

<mosaic_0001>
#map = affine_map<(d0, d1) -> (0, 0)>
module attributes {stable_mosaic.version = 14 : i64} {
  func.func @_bf_widest_sc(%arg0: i32, %arg1: i32, %arg2: memref<36x3xf32, #tpu.memory_space<hbm>>, %arg3: memref<8x16xf32, #tpu.memory_space<hbm>>, %arg4: memref<36x3xf32, #tpu.memory_space<vmem>>, %arg5: memref<20x2x16xf32, #tpu.memory_space<vmem>>, %arg6: memref<16xf32, #tpu.memory_space<vmem>>) attributes {dimension_semantics = [#tpu.dimension_semantics<core_parallel>, #tpu.dimension_semantics<subcore_parallel>], iteration_bounds = array<i64: 1, 16>, scalar_prefetch = 0 : i64, scratch_operands = 3 : i64, tpu.core_type = #tpu.core_type<sc_vector_subcore>, window_params = [{transform_indices = #map}, {transform_indices = #map}]} {
    %iota3A = tpu.iota {dimensions = array<i32: 0>} : vector<16xi32>
    %add3A = arith.constant 16 : i32
    %add3A_0 = vector.broadcast %add3A : i32 to vector<16xi32>
    %add3A_1 = arith.addi %iota3A, %add3A_0 : vector<16xi32>
    %ge3A = arith.constant 20 : i32
    %ge3A_2 = vector.broadcast %ge3A : i32 to vector<16xi32>
    %ge3A_3 = arith.cmpi sge, %add3A_1, %ge3A_2 : vector<16xi32>
    %broadcast_in_dim3A = arith.constant 1.000000e+30 : f32
    %broadcast_in_dim3A_4 = vector.broadcast %broadcast_in_dim3A : f32 to vector<16xf32>
    %broadcast_in_dim3A_5 = arith.constant 0 : i32
    %broadcast_in_dim3A_6 = vector.broadcast %broadcast_in_dim3A_5 : i32 to vector<16xi32>
    %eq3A = arith.constant 0 : i32
    %eq3A_7 = arith.cmpi eq, %arg0, %eq3A : i32
    %lt3A = arith.constant 8 : i32
    %lt3A_8 = arith.cmpi slt, %arg1, %lt3A : i32
    %and3A = arith.andi %eq3A_7, %lt3A_8 : i1
    %convert_element_type3A = arith.extui %and3A : i1 to i32
    %cond3A = arith.constant 0 : i32
    %cond3A_9 = arith.cmpi ne, %convert_element_type3A, %cond3A : i32
    scf.if %cond3A_9 {
      "tpu.region"() ({
        %run_scoped3A = tpu.sem_alloc : memref<!tpu.dma_semaphore, #tpu.memory_space<semaphore_mem>>
        tpu.enqueue_dma source(%arg2 : memref<36x3xf32, #tpu.memory_space<hbm>>) target(%arg4 : memref<36x3xf32, #tpu.memory_space<vmem>>) target_semaphore(%run_scoped3A : memref<!tpu.dma_semaphore, #tpu.memory_space<semaphore_mem>>)
        tpu.wait_dma2 semaphore(%run_scoped3A : memref<!tpu.dma_semaphore, #tpu.memory_space<semaphore_mem>>) src(%arg2 : memref<36x3xf32, #tpu.memory_space<hbm>>) dst(%arg4 : memref<36x3xf32, #tpu.memory_space<vmem>>)
        tpu.yield
      }) : () -> ()
      %add3A_10 = arith.constant 16 : i32
      %add3A_11 = vector.broadcast %add3A_10 : i32 to vector<16xi32>
      %add3A_12 = arith.addi %iota3A, %add3A_11 : vector<16xi32>
      %add3A_13 = arith.constant 16 : i32
      %add3A_14 = vector.broadcast %add3A_13 : i32 to vector<16xi32>
      %add3A_15 = arith.addi %add3A_12, %add3A_14 : vector<16xi32>
      %min3A = arith.constant 35 : i32
      %min3A_16 = vector.broadcast %min3A : i32 to vector<16xi32>
      %min3A_17 = arith.minsi %add3A_15, %min3A_16 : vector<16xi32>
      %gather3A = tpu.vector_load_idx %arg4[%add3A_12, %broadcast_in_dim3A_6] : memref<36x3xf32, #tpu.memory_space<vmem>>[vector<16xi32>, vector<16xi32>], vector<16xf32>,
      %add3A_18 = arith.constant 1 : i32
      %add3A_19 = vector.broadcast %add3A_18 : i32 to vector<16xi32>
      %add3A_20 = arith.addi %broadcast_in_dim3A_6, %add3A_19 : vector<16xi32>
      %gather3A_21 = tpu.vector_load_idx %arg4[%add3A_12, %add3A_20] : memref<36x3xf32, #tpu.memory_space<vmem>>[vector<16xi32>, vector<16xi32>], vector<16xf32>,
      %add3A_22 = arith.constant 2 : i32
      %add3A_23 = vector.broadcast %add3A_22 : i32 to vector<16xi32>
      %add3A_24 = arith.addi %broadcast_in_dim3A_6, %add3A_23 : vector<16xi32>
      %gather3A_25 = tpu.vector_load_idx %arg4[%add3A_12, %add3A_24] : memref<36x3xf32, #tpu.memory_space<vmem>>[vector<16xi32>, vector<16xi32>], vector<16xf32>,
      %gather3A_26 = tpu.vector_load_idx %arg4[%min3A_17, %broadcast_in_dim3A_6] : memref<36x3xf32, #tpu.memory_space<vmem>>[vector<16xi32>, vector<16xi32>], vector<16xf32>,
      %add3A_27 = arith.constant 1 : i32
      %add3A_28 = vector.broadcast %add3A_27 : i32 to vector<16xi32>
      %add3A_29 = arith.addi %broadcast_in_dim3A_6, %add3A_28 : vector<16xi32>
      %gather3A_30 = tpu.vector_load_idx %arg4[%min3A_17, %add3A_29] : memref<36x3xf32, #tpu.memory_space<vmem>>[vector<16xi32>, vector<16xi32>], vector<16xf32>,
      %add3A_31 = arith.constant 2 : i32
      %add3A_32 = vector.broadcast %add3A_31 : i32 to vector<16xi32>
      %add3A_33 = arith.addi %broadcast_in_dim3A_6, %add3A_32 : vector<16xi32>
      %gather3A_34 = tpu.vector_load_idx %arg4[%min3A_17, %add3A_33] : memref<36x3xf32, #tpu.memory_space<vmem>>[vector<16xi32>, vector<16xi32>], vector<16xf32>,
      %slice3A = vector.extract_strided_slice %gather3A {offsets = [0], sizes = [1], strides = [1]} : vector<16xf32> to vector<1xf32>
      %squeeze3A = vector.extract %slice3A[0] : f32 from vector<1xf32>
      %slice3A_35 = vector.extract_strided_slice %gather3A_21 {offsets = [0], sizes = [1], strides = [1]} : vector<16xf32> to vector<1xf32>
      %squeeze3A_36 = vector.extract %slice3A_35[0] : f32 from vector<1xf32>
      %slice3A_37 = vector.extract_strided_slice %gather3A_25 {offsets = [0], sizes = [1], strides = [1]} : vector<16xf32> to vector<1xf32>
      %squeeze3A_38 = vector.extract %slice3A_37[0] : f32 from vector<1xf32>
      %sub3A = vector.broadcast %squeeze3A : f32 to vector<16xf32>
      %sub3A_39 = arith.subf %gather3A, %sub3A : vector<16xf32>
      %sub3A_40 = vector.broadcast %squeeze3A_36 : f32 to vector<16xf32>
      %sub3A_41 = arith.subf %gather3A_21, %sub3A_40 : vector<16xf32>
      %sub3A_42 = vector.broadcast %squeeze3A_38 : f32 to vector<16xf32>
      %sub3A_43 = arith.subf %gather3A_25, %sub3A_42 : vector<16xf32>
      %sub3A_44 = vector.broadcast %squeeze3A : f32 to vector<16xf32>
      %sub3A_45 = arith.subf %gather3A_26, %sub3A_44 : vector<16xf32>
      %sub3A_46 = vector.broadcast %squeeze3A_36 : f32 to vector<16xf32>
      %sub3A_47 = arith.subf %gather3A_30, %sub3A_46 : vector<16xf32>
      %sub3A_48 = vector.broadcast %squeeze3A_38 : f32 to vector<16xf32>
      %sub3A_49 = arith.subf %gather3A_34, %sub3A_48 : vector<16xf32>
      %mul3A = arith.mulf %sub3A_39, %sub3A_39 : vector<16xf32>
      %mul3A_50 = arith.mulf %sub3A_41, %sub3A_41 : vector<16xf32>
      %add3A_51 = arith.addf %mul3A, %mul3A_50 : vector<16xf32>
      %mul3A_52 = arith.mulf %sub3A_43, %sub3A_43 : vector<16xf32>
      %add3A_53 = arith.addf %add3A_51, %mul3A_52 : vector<16xf32>
      %mul3A_54 = arith.mulf %sub3A_45, %sub3A_45 : vector<16xf32>
      %mul3A_55 = arith.mulf %sub3A_47, %sub3A_47 : vector<16xf32>
      %add3A_56 = arith.addf %mul3A_54, %mul3A_55 : vector<16xf32>
      %mul3A_57 = arith.mulf %sub3A_49, %sub3A_49 : vector<16xf32>
      %add3A_58 = arith.addf %add3A_56, %mul3A_57 : vector<16xf32>
      %select_n3A = arith.select %ge3A_3, %broadcast_in_dim3A_4, %add3A_58 : vector<16xi1>, vector<16xf32>
      %swap3A = arith.constant 0 : i64
      %swap3A_59 = arith.constant 0 : i64
      %swap3A_60 = arith.index_cast %swap3A : i64 to index
      %swap3A_61 = arith.index_cast %swap3A_59 : i64 to index
      %swap3A_62 = arith.constant 0 : index
      %swap3A_63 = tpu.vector_load %arg5[%swap3A_60, %swap3A_61, %swap3A_62] {strides = array<i32>} : memref<20x2x16xf32, #tpu.memory_space<vmem>>, vector<16xf32>,
      tpu.vector_store %arg5[%swap3A_60, %swap3A_61, %swap3A_62], %add3A_53 {strides = array<i32>} : memref<20x2x16xf32, #tpu.memory_space<vmem>>, vector<16xf32>,
      %swap3A_64 = arith.constant 0 : i64
      %swap3A_65 = arith.constant 1 : i64
      %swap3A_66 = arith.index_cast %swap3A_64 : i64 to index
      %swap3A_67 = arith.index_cast %swap3A_65 : i64 to index
      %swap3A_68 = arith.constant 0 : index
      %swap3A_69 = tpu.vector_load %arg5[%swap3A_66, %swap3A_67, %swap3A_68] {strides = array<i32>} : memref<20x2x16xf32, #tpu.memory_space<vmem>>, vector<16xf32>,
      tpu.vector_store %arg5[%swap3A_66, %swap3A_67, %swap3A_68], %select_n3A {strides = array<i32>} : memref<20x2x16xf32, #tpu.memory_space<vmem>>, vector<16xf32>,
      %slice3A_70 = vector.extract_strided_slice %gather3A {offsets = [1], sizes = [1], strides = [1]} : vector<16xf32> to vector<1xf32>
      %squeeze3A_71 = vector.extract %slice3A_70[0] : f32 from vector<1xf32>
      %slice3A_72 = vector.extract_strided_slice %gather3A_21 {offsets = [1], sizes = [1], strides = [1]} : vector<16xf32> to vector<1xf32>
      %squeeze3A_73 = vector.extract %slice3A_72[0] : f32 from vector<1xf32>
      %slice3A_74 = vector.extract_strided_slice %gather3A_25 {offsets = [1], sizes = [1], strides = [1]} : vector<16xf32> to vector<1xf32>
      %squeeze3A_75 = vector.extract %slice3A_74[0] : f32 from vector<1xf32>
      %sub3A_76 = vector.broadcast %squeeze3A_71 : f32 to vector<16xf32>
      %sub3A_77 = arith.subf %gather3A, %sub3A_76 : vector<16xf32>
      %sub3A_78 = vector.broadcast %squeeze3A_73 : f32 to vector<16xf32>
      %sub3A_79 = arith.subf %gather3A_21, %sub3A_78 : vector<16xf32>
      %sub3A_80 = vector.broadcast %squeeze3A_75 : f32 to vector<16xf32>
      %sub3A_81 = arith.subf %gather3A_25, %sub3A_80 : vector<16xf32>
      %sub3A_82 = vector.broadcast %squeeze3A_71 : f32 to vector<16xf32>
      %sub3A_83 = arith.subf %gather3A_26, %sub3A_82 : vector<16xf32>
      %sub3A_84 = vector.broadcast %squeeze3A_73 : f32 to vector<16xf32>
      %sub3A_85 = arith.subf %gather3A_30, %sub3A_84 : vector<16xf32>
      %sub3A_86 = vector.broadcast %squeeze3A_75 : f32 to vector<16xf32>
      %sub3A_87 = arith.subf %gather3A_34, %sub3A_86 : vector<16xf32>
      %mul3A_88 = arith.mulf %sub3A_77, %sub3A_77 : vector<16xf32>
      %mul3A_89 = arith.mulf %sub3A_79, %sub3A_79 : vector<16xf32>
      %add3A_90 = arith.addf %mul3A_88, %mul3A_89 : vector<16xf32>
      %mul3A_91 = arith.mulf %sub3A_81, %sub3A_81 : vector<16xf32>
      %add3A_92 = arith.addf %add3A_90, %mul3A_91 : vector<16xf32>
      %mul3A_93 = arith.mulf %sub3A_83, %sub3A_83 : vector<16xf32>
      %mul3A_94 = arith.mulf %sub3A_85, %sub3A_85 : vector<16xf32>
      %add3A_95 = arith.addf %mul3A_93, %mul3A_94 : vector<16xf32>
      %mul3A_96 = arith.mulf %sub3A_87, %sub3A_87 : vector<16xf32>
      %add3A_97 = arith.addf %add3A_95, %mul3A_96 : vector<16xf32>
      %select_n3A_98 = arith.select %ge3A_3, %broadcast_in_dim3A_4, %add3A_97 : vector<16xi1>, vector<16xf32>
      %swap3A_99 = arith.constant 1 : i64
      %swap3A_100 = arith.constant 0 : i64
      %swap3A_101 = arith.index_cast %swap3A_99 : i64 to index
      %swap3A_102 = arith.index_cast %swap3A_100 : i64 to index
      %swap3A_103 = arith.constant 0 : index
      %swap3A_104 = tpu.vector_load %arg5[%swap3A_101, %swap3A_102, %swap3A_103] {strides = array<i32>} : memref<20x2x16xf32, #tpu.memory_space<vmem>>, vector<16xf32>,
      tpu.vector_store %arg5[%swap3A_101, %swap3A_102, %swap3A_103], %add3A_92 {strides = array<i32>} : memref<20x2x16xf32, #tpu.memory_space<vmem>>, vector<16xf32>,
      %swap3A_105 = arith.constant 1 : i64
      %swap3A_106 = arith.constant 1 : i64
      %swap3A_107 = arith.index_cast %swap3A_105 : i64 to index
      %swap3A_108 = arith.index_cast %swap3A_106 : i64 to index
      %swap3A_109 = arith.constant 0 : index
      %swap3A_110 = tpu.vector_load %arg5[%swap3A_107, %swap3A_108, %swap3A_109] {strides = array<i32>} : memref<20x2x16xf32, #tpu.memory_space<vmem>>, vector<16xf32>,
      tpu.vector_store %arg5[%swap3A_107, %swap3A_108, %swap3A_109], %select_n3A_98 {strides = array<i32>} : memref<20x2x16xf32, #tpu.memory_space<vmem>>, vector<16xf32>,
      %slice3A_111 = vector.extract_strided_slice %gather3A {offsets = [2], sizes = [1], strides = [1]} : vector<16xf32> to vector<1xf32>
      %squeeze3A_112 = vector.extract %slice3A_111[0] : f32 from vector<1xf32>
      %slice3A_113 = vector.extract_strided_slice %gather3A_21 {offsets = [2], sizes = [1], strides = [1]} : vector<16xf32> to vector<1xf32>
      %squeeze3A_114 = vector.extract %slice3A_113[0] : f32 from vector<1xf32>
      %slice3A_115 = vector.extract_strided_slice %gather3A_25 {offsets = [2], sizes = [1], strides = [1]} : vector<16xf32> to vector<1xf32>
      %squeeze3A_116 = vector.extract %slice3A_115[0] : f32 from vector<1xf32>
      %sub3A_117 = vector.broadcast %squeeze3A_112 : f32 to vector<16xf32>
      %sub3A_118 = arith.subf %gather3A, %sub3A_117 : vector<16xf32>
      %sub3A_119 = vector.broadcast %squeeze3A_114 : f32 to vector<16xf32>
      %sub3A_120 = arith.subf %gather3A_21, %sub3A_119 : vector<16xf32>
      %sub3A_121 = vector.broadcast %squeeze3A_116 : f32 to vector<16xf32>
      %sub3A_122 = arith.subf %gather3A_25, %sub3A_121 : vector<16xf32>
      %sub3A_123 = vector.broadcast %squeeze3A_112 : f32 to vector<16xf32>
      %sub3A_124 = arith.subf %gather3A_26, %sub3A_123 : vector<16xf32>
      %sub3A_125 = vector.broadcast %squeeze3A_114 : f32 to vector<16xf32>
      %sub3A_126 = arith.subf %gather3A_30, %sub3A_125 : vector<16xf32>
      %sub3A_127 = vector.broadcast %squeeze3A_116 : f32 to vector<16xf32>
      %sub3A_128 = arith.subf %gather3A_34, %sub3A_127 : vector<16xf32>
      %mul3A_129 = arith.mulf %sub3A_118, %sub3A_118 : vector<16xf32>
      %mul3A_130 = arith.mulf %sub3A_120, %sub3A_120 : vector<16xf32>
      %add3A_131 = arith.addf %mul3A_129, %mul3A_130 : vector<16xf32>
      %mul3A_132 = arith.mulf %sub3A_122, %sub3A_122 : vector<16xf32>
      %add3A_133 = arith.addf %add3A_131, %mul3A_132 : vector<16xf32>
      %mul3A_134 = arith.mulf %sub3A_124, %sub3A_124 : vector<16xf32>
      %mul3A_135 = arith.mulf %sub3A_126, %sub3A_126 : vector<16xf32>
      %add3A_136 = arith.addf %mul3A_134, %mul3A_135 : vector<16xf32>
      %mul3A_137 = arith.mulf %sub3A_128, %sub3A_128 : vector<16xf32>
      %add3A_138 = arith.addf %add3A_136, %mul3A_137 : vector<16xf32>
      %select_n3A_139 = arith.select %ge3A_3, %broadcast_in_dim3A_4, %add3A_138 : vector<16xi1>, vector<16xf32>
      %swap3A_140 = arith.constant 2 : i64
      %swap3A_141 = arith.constant 0 : i64
      %swap3A_142 = arith.index_cast %swap3A_140 : i64 to index
      %swap3A_143 = arith.index_cast %swap3A_141 : i64 to index
      %swap3A_144 = arith.constant 0 : index
      %swap3A_145 = tpu.vector_load %arg5[%swap3A_142, %swap3A_143, %swap3A_144] {strides = array<i32>} : memref<20x2x16xf32, #tpu.memory_space<vmem>>, vector<16xf32>,
      tpu.vector_store %arg5[%swap3A_142, %swap3A_143, %swap3A_144], %add3A_133 {strides = array<i32>} : memref<20x2x16xf32, #tpu.memory_space<vmem>>, vector<16xf32>,
      %swap3A_146 = arith.constant 2 : i64
      %swap3A_147 = arith.constant 1 : i64
      %swap3A_148 = arith.index_cast %swap3A_146 : i64 to index
      %swap3A_149 = arith.index_cast %swap3A_147 : i64 to index
      %swap3A_150 = arith.constant 0 : index
      %swap3A_151 = tpu.vector_load %arg5[%swap3A_148, %swap3A_149, %swap3A_150] {strides = array<i32>} : memref<20x2x16xf32, #tpu.memory_space<vmem>>, vector<16xf32>,
      tpu.vector_store %arg5[%swap3A_148, %swap3A_149, %swap3A_150], %select_n3A_139 {strides = array<i32>} : memref<20x2x16xf32, #tpu.memory_space<vmem>>, vector<16xf32>,
      %slice3A_152 = vector.extract_strided_slice %gather3A {offsets = [3], sizes = [1], strides = [1]} : vector<16xf32> to vector<1xf32>
      %squeeze3A_153 = vector.extract %slice3A_152[0] : f32 from vector<1xf32>
      %slice3A_154 = vector.extract_strided_slice %gather3A_21 {offsets = [3], sizes = [1], strides = [1]} : vector<16xf32> to vector<1xf32>
      %squeeze3A_155 = vector.extract %slice3A_154[0] : f32 from vector<1xf32>
      %slice3A_156 = vector.extract_strided_slice %gather3A_25 {offsets = [3], sizes = [1], strides = [1]} : vector<16xf32> to vector<1xf32>
      %squeeze3A_157 = vector.extract %slice3A_156[0] : f32 from vector<1xf32>
      %sub3A_158 = vector.broadcast %squeeze3A_153 : f32 to vector<16xf32>
      %sub3A_159 = arith.subf %gather3A, %sub3A_158 : vector<16xf32>
      %sub3A_160 = vector.broadcast %squeeze3A_155 : f32 to vector<16xf32>
      %sub3A_161 = arith.subf %gather3A_21, %sub3A_160 : vector<16xf32>
      %sub3A_162 = vector.broadcast %squeeze3A_157 : f32 to vector<16xf32>
      %sub3A_163 = arith.subf %gather3A_25, %sub3A_162 : vector<16xf32>
      %sub3A_164 = vector.broadcast %squeeze3A_153 : f32 to vector<16xf32>
      %sub3A_165 = arith.subf %gather3A_26, %sub3A_164 : vector<16xf32>
      %sub3A_166 = vector.broadcast %squeeze3A_155 : f32 to vector<16xf32>
      %sub3A_167 = arith.subf %gather3A_30, %sub3A_166 : vector<16xf32>
      %sub3A_168 = vector.broadcast %squeeze3A_157 : f32 to vector<16xf32>
      %sub3A_169 = arith.subf %gather3A_34, %sub3A_168 : vector<16xf32>
      %mul3A_170 = arith.mulf %sub3A_159, %sub3A_159 : vector<16xf32>
      %mul3A_171 = arith.mulf %sub3A_161, %sub3A_161 : vector<16xf32>
      %add3A_172 = arith.addf %mul3A_170, %mul3A_171 : vector<16xf32>
      %mul3A_173 = arith.mulf %sub3A_163, %sub3A_163 : vector<16xf32>
      %add3A_174 = arith.addf %add3A_172, %mul3A_173 : vector<16xf32>
      %mul3A_175 = arith.mulf %sub3A_165, %sub3A_165 : vector<16xf32>
      %mul3A_176 = arith.mulf %sub3A_167, %sub3A_167 : vector<16xf32>
      %add3A_177 = arith.addf %mul3A_175, %mul3A_176 : vector<16xf32>
      %mul3A_178 = arith.mulf %sub3A_169, %sub3A_169 : vector<16xf32>
      %add3A_179 = arith.addf %add3A_177, %mul3A_178 : vector<16xf32>
      %select_n3A_180 = arith.select %ge3A_3, %broadcast_in_dim3A_4, %add3A_179 : vector<16xi1>, vector<16xf32>
      %swap3A_181 = arith.constant 3 : i64
      %swap3A_182 = arith.constant 0 : i64
      %swap3A_183 = arith.index_cast %swap3A_181 : i64 to index
      %swap3A_184 = arith.index_cast %swap3A_182 : i64 to index
      %swap3A_185 = arith.constant 0 : index
      %swap3A_186 = tpu.vector_load %arg5[%swap3A_183, %swap3A_184, %swap3A_185] {strides = array<i32>} : memref<20x2x16xf32, #tpu.memory_space<vmem>>, vector<16xf32>,
      tpu.vector_store %arg5[%swap3A_183, %swap3A_184, %swap3A_185], %add3A_174 {strides = array<i32>} : memref<20x2x16xf32, #tpu.memory_space<vmem>>, vector<16xf32>,
      %swap3A_187 = arith.constant 3 : i64
      %swap3A_188 = arith.constant 1 : i64
      %swap3A_189 = arith.index_cast %swap3A_187 : i64 to index
      %swap3A_190 = arith.index_cast %swap3A_188 : i64 to index
      %swap3A_191 = arith.constant 0 : index
      %swap3A_192 = tpu.vector_load %arg5[%swap3A_189, %swap3A_190, %swap3A_191] {strides = array<i32>} : memref<20x2x16xf32, #tpu.memory_space<vmem>>, vector<16xf32>,
      tpu.vector_store %arg5[%swap3A_189, %swap3A_190, %swap3A_191], %select_n3A_180 {strides = array<i32>} : memref<20x2x16xf32, #tpu.memory_space<vmem>>, vector<16xf32>,
      %slice3A_193 = vector.extract_strided_slice %gather3A {offsets = [4], sizes = [1], strides = [1]} : vector<16xf32> to vector<1xf32>
      %squeeze3A_194 = vector.extract %slice3A_193[0] : f32 from vector<1xf32>
      %slice3A_195 = vector.extract_strided_slice %gather3A_21 {offsets = [4], sizes = [1], strides = [1]} : vector<16xf32> to vector<1xf32>
      %squeeze3A_196 = vector.extract %slice3A_195[0] : f32 from vector<1xf32>
      %slice3A_197 = vector.extract_strided_slice %gather3A_25 {offsets = [4], sizes = [1], strides = [1]} : vector<16xf32> to vector<1xf32>
      %squeeze3A_198 = vector.extract %slice3A_197[0] : f32 from vector<1xf32>
      %sub3A_199 = vector.broadcast %squeeze3A_194 : f32 to vector<16xf32>
      %sub3A_200 = arith.subf %gather3A, %sub3A_199 : vector<16xf32>
      %sub3A_201 = vector.broadcast %squeeze3A_196 : f32 to vector<16xf32>
      %sub3A_202 = arith.subf %gather3A_21, %sub3A_201 : vector<16xf32>
      %sub3A_203 = vector.broadcast %squeeze3A_198 : f32 to vector<16xf32>
      %sub3A_204 = arith.subf %gather3A_25, %sub3A_203 : vector<16xf32>
      %sub3A_205 = vector.broadcast %squeeze3A_194 : f32 to vector<16xf32>
      %sub3A_206 = arith.subf %gather3A_26, %sub3A_205 : vector<16xf32>
      %sub3A_207 = vector.broadcast %squeeze3A_196 : f32 to vector<16xf32>
      %sub3A_208 = arith.subf %gather3A_30, %sub3A_207 : vector<16xf32>
      %sub3A_209 = vector.broadcast %squeeze3A_198 : f32 to vector<16xf32>
      %sub3A_210 = arith.subf %gather3A_34, %sub3A_209 : vector<16xf32>
      %mul3A_211 = arith.mulf %sub3A_200, %sub3A_200 : vector<16xf32>
      %mul3A_212 = arith.mulf %sub3A_202, %sub3A_202 : vector<16xf32>
      %add3A_213 = arith.addf %mul3A_211, %mul3A_212 : vector<16xf32>
      %mul3A_214 = arith.mulf %sub3A_204, %sub3A_204 : vector<16xf32>
      %add3A_215 = arith.addf %add3A_213, %mul3A_214 : vector<16xf32>
      %mul3A_216 = arith.mulf %sub3A_206, %sub3A_206 : vector<16xf32>
      %mul3A_217 = arith.mulf %sub3A_208, %sub3A_208 : vector<16xf32>
      %add3A_218 = arith.addf %mul3A_216, %mul3A_217 : vector<16xf32>
      %mul3A_219 = arith.mulf %sub3A_210, %sub3A_210 : vector<16xf32>
      %add3A_220 = arith.addf %add3A_218, %mul3A_219 : vector<16xf32>
      %select_n3A_221 = arith.select %ge3A_3, %broadcast_in_dim3A_4, %add3A_220 : vector<16xi1>, vector<16xf32>
      %swap3A_222 = arith.constant 4 : i64
      %swap3A_223 = arith.constant 0 : i64
      %swap3A_224 = arith.index_cast %swap3A_222 : i64 to index
      %swap3A_225 = arith.index_cast %swap3A_223 : i64 to index
      %swap3A_226 = arith.constant 0 : index
      %swap3A_227 = tpu.vector_load %arg5[%swap3A_224, %swap3A_225, %swap3A_226] {strides = array<i32>} : memref<20x2x16xf32, #tpu.memory_space<vmem>>, vector<16xf32>,
      tpu.vector_store %arg5[%swap3A_224, %swap3A_225, %swap3A_226], %add3A_215 {strides = array<i32>} : memref<20x2x16xf32, #tpu.memory_space<vmem>>, vector<16xf32>,
      %swap3A_228 = arith.constant 4 : i64
      %swap3A_229 = arith.constant 1 : i64
      %swap3A_230 = arith.index_cast %swap3A_228 : i64 to index
      %swap3A_231 = arith.index_cast %swap3A_229 : i64 to index
      %swap3A_232 = arith.constant 0 : index
      %swap3A_233 = tpu.vector_load %arg5[%swap3A_230, %swap3A_231, %swap3A_232] {strides = array<i32>} : memref<20x2x16xf32, #tpu.memory_space<vmem>>, vector<16xf32>,
      tpu.vector_store %arg5[%swap3A_230, %swap3A_231, %swap3A_232], %select_n3A_221 {strides = array<i32>} : memref<20x2x16xf32, #tpu.memory_space<vmem>>, vector<16xf32>,
      %slice3A_234 = vector.extract_strided_slice %gather3A {offsets = [5], sizes = [1], strides = [1]} : vector<16xf32> to vector<1xf32>
      %squeeze3A_235 = vector.extract %slice3A_234[0] : f32 from vector<1xf32>
      %slice3A_236 = vector.extract_strided_slice %gather3A_21 {offsets = [5], sizes = [1], strides = [1]} : vector<16xf32> to vector<1xf32>
      %squeeze3A_237 = vector.extract %slice3A_236[0] : f32 from vector<1xf32>
      %slice3A_238 = vector.extract_strided_slice %gather3A_25 {offsets = [5], sizes = [1], strides = [1]} : vector<16xf32> to vector<1xf32>
      %squeeze3A_239 = vector.extract %slice3A_238[0] : f32 from vector<1xf32>
      %sub3A_240 = vector.broadcast %squeeze3A_235 : f32 to vector<16xf32>
      %sub3A_241 = arith.subf %gather3A, %sub3A_240 : vector<16xf32>
      %sub3A_242 = vector.broadcast %squeeze3A_237 : f32 to vector<16xf32>
      %sub3A_243 = arith.subf %gather3A_21, %sub3A_242 : vector<16xf32>
      %sub3A_244 = vector.broadcast %squeeze3A_239 : f32 to vector<16xf32>
      %sub3A_245 = arith.subf %gather3A_25, %sub3A_244 : vector<16xf32>
      %sub3A_246 = vector.broadcast %squeeze3A_235 : f32 to vector<16xf32>
      %sub3A_247 = arith.subf %gather3A_26, %sub3A_246 : vector<16xf32>
      %sub3A_248 = vector.broadcast %squeeze3A_237 : f32 to vector<16xf32>
      %sub3A_249 = arith.subf %gather3A_30, %sub3A_248 : vector<16xf32>
      %sub3A_250 = vector.broadcast %squeeze3A_239 : f32 to vector<16xf32>
      %sub3A_251 = arith.subf %gather3A_34, %sub3A_250 : vector<16xf32>
      %mul3A_252 = arith.mulf %sub3A_241, %sub3A_241 : vector<16xf32>
      %mul3A_253 = arith.mulf %sub3A_243, %sub3A_243 : vector<16xf32>
      %add3A_254 = arith.addf %mul3A_252, %mul3A_253 : vector<16xf32>
      %mul3A_255 = arith.mulf %sub3A_245, %sub3A_245 : vector<16xf32>
      %add3A_256 = arith.addf %add3A_254, %mul3A_255 : vector<16xf32>
      %mul3A_257 = arith.mulf %sub3A_247, %sub3A_247 : vector<16xf32>
      %mul3A_258 = arith.mulf %sub3A_249, %sub3A_249 : vector<16xf32>
      %add3A_259 = arith.addf %mul3A_257, %mul3A_258 : vector<16xf32>
      %mul3A_260 = arith.mulf %sub3A_251, %sub3A_251 : vector<16xf32>
      %add3A_261 = arith.addf %add3A_259, %mul3A_260 : vector<16xf32>
      %select_n3A_262 = arith.select %ge3A_3, %broadcast_in_dim3A_4, %add3A_261 : vector<16xi1>, vector<16xf32>
      %swap3A_263 = arith.constant 5 : i64
      %swap3A_264 = arith.constant 0 : i64
      %swap3A_265 = arith.index_cast %swap3A_263 : i64 to index
      %swap3A_266 = arith.index_cast %swap3A_264 : i64 to index
      %swap3A_267 = arith.constant 0 : index
      %swap3A_268 = tpu.vector_load %arg5[%swap3A_265, %swap3A_266, %swap3A_267] {strides = array<i32>} : memref<20x2x16xf32, #tpu.memory_space<vmem>>, vector<16xf32>,
      tpu.vector_store %arg5[%swap3A_265, %swap3A_266, %swap3A_267], %add3A_256 {strides = array<i32>} : memref<20x2x16xf32, #tpu.memory_space<vmem>>, vector<16xf32>,
      %swap3A_269 = arith.constant 5 : i64
      %swap3A_270 = arith.constant 1 : i64
      %swap3A_271 = arith.index_cast %swap3A_269 : i64 to index
      %swap3A_272 = arith.index_cast %swap3A_270 : i64 to index
      %swap3A_273 = arith.constant 0 : index
      %swap3A_274 = tpu.vector_load %arg5[%swap3A_271, %swap3A_272, %swap3A_273] {strides = array<i32>} : memref<20x2x16xf32, #tpu.memory_space<vmem>>, vector<16xf32>,
      tpu.vector_store %arg5[%swap3A_271, %swap3A_272, %swap3A_273], %select_n3A_262 {strides = array<i32>} : memref<20x2x16xf32, #tpu.memory_space<vmem>>, vector<16xf32>,
      %slice3A_275 = vector.extract_strided_slice %gather3A {offsets = [6], sizes = [1], strides = [1]} : vector<16xf32> to vector<1xf32>
      %squeeze3A_276 = vector.extract %slice3A_275[0] : f32 from vector<1xf32>
      %slice3A_277 = vector.extract_strided_slice %gather3A_21 {offsets = [6], sizes = [1], strides = [1]} : vector<16xf32> to vector<1xf32>
      %squeeze3A_278 = vector.extract %slice3A_277[0] : f32 from vector<1xf32>
      %slice3A_279 = vector.extract_strided_slice %gather3A_25 {offsets = [6], sizes = [1], strides = [1]} : vector<16xf32> to vector<1xf32>
      %squeeze3A_280 = vector.extract %slice3A_279[0] : f32 from vector<1xf32>
      %sub3A_281 = vector.broadcast %squeeze3A_276 : f32 to vector<16xf32>
      %sub3A_282 = arith.subf %gather3A, %sub3A_281 : vector<16xf32>
      %sub3A_283 = vector.broadcast %squeeze3A_278 : f32 to vector<16xf32>
      %sub3A_284 = arith.subf %gather3A_21, %sub3A_283 : vector<16xf32>
      %sub3A_285 = vector.broadcast %squeeze3A_280 : f32 to vector<16xf32>
      %sub3A_286 = arith.subf %gather3A_25, %sub3A_285 : vector<16xf32>
      %sub3A_287 = vector.broadcast %squeeze3A_276 : f32 to vector<16xf32>
      %sub3A_288 = arith.subf %gather3A_26, %sub3A_287 : vector<16xf32>
      %sub3A_289 = vector.broadcast %squeeze3A_278 : f32 to vector<16xf32>
      %sub3A_290 = arith.subf %gather3A_30, %sub3A_289 : vector<16xf32>
      %sub3A_291 = vector.broadcast %squeeze3A_280 : f32 to vector<16xf32>
      %sub3A_292 = arith.subf %gather3A_34, %sub3A_291 : vector<16xf32>
      %mul3A_293 = arith.mulf %sub3A_282, %sub3A_282 : vector<16xf32>
      %mul3A_294 = arith.mulf %sub3A_284, %sub3A_284 : vector<16xf32>
      %add3A_295 = arith.addf %mul3A_293, %mul3A_294 : vector<16xf32>
      %mul3A_296 = arith.mulf %sub3A_286, %sub3A_286 : vector<16xf32>
      %add3A_297 = arith.addf %add3A_295, %mul3A_296 : vector<16xf32>
      %mul3A_298 = arith.mulf %sub3A_288, %sub3A_288 : vector<16xf32>
      %mul3A_299 = arith.mulf %sub3A_290, %sub3A_290 : vector<16xf32>
      %add3A_300 = arith.addf %mul3A_298, %mul3A_299 : vector<16xf32>
      %mul3A_301 = arith.mulf %sub3A_292, %sub3A_292 : vector<16xf32>
      %add3A_302 = arith.addf %add3A_300, %mul3A_301 : vector<16xf32>
      %select_n3A_303 = arith.select %ge3A_3, %broadcast_in_dim3A_4, %add3A_302 : vector<16xi1>, vector<16xf32>
      %swap3A_304 = arith.constant 6 : i64
      %swap3A_305 = arith.constant 0 : i64
      %swap3A_306 = arith.index_cast %swap3A_304 : i64 to index
      %swap3A_307 = arith.index_cast %swap3A_305 : i64 to index
      %swap3A_308 = arith.constant 0 : index
      %swap3A_309 = tpu.vector_load %arg5[%swap3A_306, %swap3A_307, %swap3A_308] {strides = array<i32>} : memref<20x2x16xf32, #tpu.memory_space<vmem>>, vector<16xf32>,
      tpu.vector_store %arg5[%swap3A_306, %swap3A_307, %swap3A_308], %add3A_297 {strides = array<i32>} : memref<20x2x16xf32, #tpu.memory_space<vmem>>, vector<16xf32>,
      %swap3A_310 = arith.constant 6 : i64
      %swap3A_311 = arith.constant 1 : i64
      %swap3A_312 = arith.index_cast %swap3A_310 : i64 to index
      %swap3A_313 = arith.index_cast %swap3A_311 : i64 to index
      %swap3A_314 = arith.constant 0 : index
      %swap3A_315 = tpu.vector_load %arg5[%swap3A_312, %swap3A_313, %swap3A_314] {strides = array<i32>} : memref<20x2x16xf32, #tpu.memory_space<vmem>>, vector<16xf32>,
      tpu.vector_store %arg5[%swap3A_312, %swap3A_313, %swap3A_314], %select_n3A_303 {strides = array<i32>} : memref<20x2x16xf32, #tpu.memory_space<vmem>>, vector<16xf32>,
      %slice3A_316 = vector.extract_strided_slice %gather3A {offsets = [7], sizes = [1], strides = [1]} : vector<16xf32> to vector<1xf32>
      %squeeze3A_317 = vector.extract %slice3A_316[0] : f32 from vector<1xf32>
      %slice3A_318 = vector.extract_strided_slice %gather3A_21 {offsets = [7], sizes = [1], strides = [1]} : vector<16xf32> to vector<1xf32>
      %squeeze3A_319 = vector.extract %slice3A_318[0] : f32 from vector<1xf32>
      %slice3A_320 = vector.extract_strided_slice %gather3A_25 {offsets = [7], sizes = [1], strides = [1]} : vector<16xf32> to vector<1xf32>
      %squeeze3A_321 = vector.extract %slice3A_320[0] : f32 from vector<1xf32>
      %sub3A_322 = vector.broadcast %squeeze3A_317 : f32 to vector<16xf32>
      %sub3A_323 = arith.subf %gather3A, %sub3A_322 : vector<16xf32>
      %sub3A_324 = vector.broadcast %squeeze3A_319 : f32 to vector<16xf32>
      %sub3A_325 = arith.subf %gather3A_21, %sub3A_324 : vector<16xf32>
      %sub3A_326 = vector.broadcast %squeeze3A_321 : f32 to vector<16xf32>
      %sub3A_327 = arith.subf %gather3A_25, %sub3A_326 : vector<16xf32>
      %sub3A_328 = vector.broadcast %squeeze3A_317 : f32 to vector<16xf32>
      %sub3A_329 = arith.subf %gather3A_26, %sub3A_328 : vector<16xf32>
      %sub3A_330 = vector.broadcast %squeeze3A_319 : f32 to vector<16xf32>
      %sub3A_331 = arith.subf %gather3A_30, %sub3A_330 : vector<16xf32>
      %sub3A_332 = vector.broadcast %squeeze3A_321 : f32 to vector<16xf32>
      %sub3A_333 = arith.subf %gather3A_34, %sub3A_332 : vector<16xf32>
      %mul3A_334 = arith.mulf %sub3A_323, %sub3A_323 : vector<16xf32>
      %mul3A_335 = arith.mulf %sub3A_325, %sub3A_325 : vector<16xf32>
      %add3A_336 = arith.addf %mul3A_334, %mul3A_335 : vector<16xf32>
      %mul3A_337 = arith.mulf %sub3A_327, %sub3A_327 : vector<16xf32>
      %add3A_338 = arith.addf %add3A_336, %mul3A_337 : vector<16xf32>
      %mul3A_339 = arith.mulf %sub3A_329, %sub3A_329 : vector<16xf32>
      %mul3A_340 = arith.mulf %sub3A_331, %sub3A_331 : vector<16xf32>
      %add3A_341 = arith.addf %mul3A_339, %mul3A_340 : vector<16xf32>
      %mul3A_342 = arith.mulf %sub3A_333, %sub3A_333 : vector<16xf32>
      %add3A_343 = arith.addf %add3A_341, %mul3A_342 : vector<16xf32>
      %select_n3A_344 = arith.select %ge3A_3, %broadcast_in_dim3A_4, %add3A_343 : vector<16xi1>, vector<16xf32>
      %swap3A_345 = arith.constant 7 : i64
      %swap3A_346 = arith.constant 0 : i64
      %swap3A_347 = arith.index_cast %swap3A_345 : i64 to index
      %swap3A_348 = arith.index_cast %swap3A_346 : i64 to index
      %swap3A_349 = arith.constant 0 : index
      %swap3A_350 = tpu.vector_load %arg5[%swap3A_347, %swap3A_348, %swap3A_349] {strides = array<i32>} : memref<20x2x16xf32, #tpu.memory_space<vmem>>, vector<16xf32>,
      tpu.vector_store %arg5[%swap3A_347, %swap3A_348, %swap3A_349], %add3A_338 {strides = array<i32>} : memref<20x2x16xf32, #tpu.memory_space<vmem>>, vector<16xf32>,
      %swap3A_351 = arith.constant 7 : i64
      %swap3A_352 = arith.constant 1 : i64
      %swap3A_353 = arith.index_cast %swap3A_351 : i64 to index
      %swap3A_354 = arith.index_cast %swap3A_352 : i64 to index
      %swap3A_355 = arith.constant 0 : index
      %swap3A_356 = tpu.vector_load %arg5[%swap3A_353, %swap3A_354, %swap3A_355] {strides = array<i32>} : memref<20x2x16xf32, #tpu.memory_space<vmem>>, vector<16xf32>,
      tpu.vector_store %arg5[%swap3A_353, %swap3A_354, %swap3A_355], %select_n3A_344 {strides = array<i32>} : memref<20x2x16xf32, #tpu.memory_space<vmem>>, vector<16xf32>,
      %slice3A_357 = vector.extract_strided_slice %gather3A {offsets = [8], sizes = [1], strides = [1]} : vector<16xf32> to vector<1xf32>
      %squeeze3A_358 = vector.extract %slice3A_357[0] : f32 from vector<1xf32>
      %slice3A_359 = vector.extract_strided_slice %gather3A_21 {offsets = [8], sizes = [1], strides = [1]} : vector<16xf32> to vector<1xf32>
      %squeeze3A_360 = vector.extract %slice3A_359[0] : f32 from vector<1xf32>
      %slice3A_361 = vector.extract_strided_slice %gather3A_25 {offsets = [8], sizes = [1], strides = [1]} : vector<16xf32> to vector<1xf32>
      %squeeze3A_362 = vector.extract %slice3A_361[0] : f32 from vector<1xf32>
      %sub3A_363 = vector.broadcast %squeeze3A_358 : f32 to vector<16xf32>
      %sub3A_364 = arith.subf %gather3A, %sub3A_363 : vector<16xf32>
      %sub3A_365 = vector.broadcast %squeeze3A_360 : f32 to vector<16xf32>
      %sub3A_366 = arith.subf %gather3A_21, %sub3A_365 : vector<16xf32>
      %sub3A_367 = vector.broadcast %squeeze3A_362 : f32 to vector<16xf32>
      %sub3A_368 = arith.subf %gather3A_25, %sub3A_367 : vector<16xf32>
      %sub3A_369 = vector.broadcast %squeeze3A_358 : f32 to vector<16xf32>
      %sub3A_370 = arith.subf %gather3A_26, %sub3A_369 : vector<16xf32>
      %sub3A_371 = vector.broadcast %squeeze3A_360 : f32 to vector<16xf32>
      %sub3A_372 = arith.subf %gather3A_30, %sub3A_371 : vector<16xf32>
      %sub3A_373 = vector.broadcast %squeeze3A_362 : f32 to vector<16xf32>
      %sub3A_374 = arith.subf %gather3A_34, %sub3A_373 : vector<16xf32>
      %mul3A_375 = arith.mulf %sub3A_364, %sub3A_364 : vector<16xf32>
      %mul3A_376 = arith.mulf %sub3A_366, %sub3A_366 : vector<16xf32>
      %add3A_377 = arith.addf %mul3A_375, %mul3A_376 : vector<16xf32>
      %mul3A_378 = arith.mulf %sub3A_368, %sub3A_368 : vector<16xf32>
      %add3A_379 = arith.addf %add3A_377, %mul3A_378 : vector<16xf32>
      %mul3A_380 = arith.mulf %sub3A_370, %sub3A_370 : vector<16xf32>
      %mul3A_381 = arith.mulf %sub3A_372, %sub3A_372 : vector<16xf32>
      %add3A_382 = arith.addf %mul3A_380, %mul3A_381 : vector<16xf32>
      %mul3A_383 = arith.mulf %sub3A_374, %sub3A_374 : vector<16xf32>
      %add3A_384 = arith.addf %add3A_382, %mul3A_383 : vector<16xf32>
      %select_n3A_385 = arith.select %ge3A_3, %broadcast_in_dim3A_4, %add3A_384 : vector<16xi1>, vector<16xf32>
      %swap3A_386 = arith.constant 8 : i64
      %swap3A_387 = arith.constant 0 : i64
      %swap3A_388 = arith.index_cast %swap3A_386 : i64 to index
      %swap3A_389 = arith.index_cast %swap3A_387 : i64 to index
      %swap3A_390 = arith.constant 0 : index
      %swap3A_391 = tpu.vector_load %arg5[%swap3A_388, %swap3A_389, %swap3A_390] {strides = array<i32>} : memref<20x2x16xf32, #tpu.memory_space<vmem>>, vector<16xf32>,
      tpu.vector_store %arg5[%swap3A_388, %swap3A_389, %swap3A_390], %add3A_379 {strides = array<i32>} : memref<20x2x16xf32, #tpu.memory_space<vmem>>, vector<16xf32>,
      %swap3A_392 = arith.constant 8 : i64
      %swap3A_393 = arith.constant 1 : i64
      %swap3A_394 = arith.index_cast %swap3A_392 : i64 to index
      %swap3A_395 = arith.index_cast %swap3A_393 : i64 to index
      %swap3A_396 = arith.constant 0 : index
      %swap3A_397 = tpu.vector_load %arg5[%swap3A_394, %swap3A_395, %swap3A_396] {strides = array<i32>} : memref<20x2x16xf32, #tpu.memory_space<vmem>>, vector<16xf32>,
      tpu.vector_store %arg5[%swap3A_394, %swap3A_395, %swap3A_396], %select_n3A_385 {strides = array<i32>} : memref<20x2x16xf32, #tpu.memory_space<vmem>>, vector<16xf32>,
      %slice3A_398 = vector.extract_strided_slice %gather3A {offsets = [9], sizes = [1], strides = [1]} : vector<16xf32> to vector<1xf32>
      %squeeze3A_399 = vector.extract %slice3A_398[0] : f32 from vector<1xf32>
      %slice3A_400 = vector.extract_strided_slice %gather3A_21 {offsets = [9], sizes = [1], strides = [1]} : vector<16xf32> to vector<1xf32>
      %squeeze3A_401 = vector.extract %slice3A_400[0] : f32 from vector<1xf32>
      %slice3A_402 = vector.extract_strided_slice %gather3A_25 {offsets = [9], sizes = [1], strides = [1]} : vector<16xf32> to vector<1xf32>
      %squeeze3A_403 = vector.extract %slice3A_402[0] : f32 from vector<1xf32>
      %sub3A_404 = vector.broadcast %squeeze3A_399 : f32 to vector<16xf32>
      %sub3A_405 = arith.subf %gather3A, %sub3A_404 : vector<16xf32>
      %sub3A_406 = vector.broadcast %squeeze3A_401 : f32 to vector<16xf32>
      %sub3A_407 = arith.subf %gather3A_21, %sub3A_406 : vector<16xf32>
      %sub3A_408 = vector.broadcast %squeeze3A_403 : f32 to vector<16xf32>
      %sub3A_409 = arith.subf %gather3A_25, %sub3A_408 : vector<16xf32>
      %sub3A_410 = vector.broadcast %squeeze3A_399 : f32 to vector<16xf32>
      %sub3A_411 = arith.subf %gather3A_26, %sub3A_410 : vector<16xf32>
      %sub3A_412 = vector.broadcast %squeeze3A_401 : f32 to vector<16xf32>
      %sub3A_413 = arith.subf %gather3A_30, %sub3A_412 : vector<16xf32>
      %sub3A_414 = vector.broadcast %squeeze3A_403 : f32 to vector<16xf32>
      %sub3A_415 = arith.subf %gather3A_34, %sub3A_414 : vector<16xf32>
      %mul3A_416 = arith.mulf %sub3A_405, %sub3A_405 : vector<16xf32>
      %mul3A_417 = arith.mulf %sub3A_407, %sub3A_407 : vector<16xf32>
      %add3A_418 = arith.addf %mul3A_416, %mul3A_417 : vector<16xf32>
      %mul3A_419 = arith.mulf %sub3A_409, %sub3A_409 : vector<16xf32>
      %add3A_420 = arith.addf %add3A_418, %mul3A_419 : vector<16xf32>
      %mul3A_421 = arith.mulf %sub3A_411, %sub3A_411 : vector<16xf32>
      %mul3A_422 = arith.mulf %sub3A_413, %sub3A_413 : vector<16xf32>
      %add3A_423 = arith.addf %mul3A_421, %mul3A_422 : vector<16xf32>
      %mul3A_424 = arith.mulf %sub3A_415, %sub3A_415 : vector<16xf32>
      %add3A_425 = arith.addf %add3A_423, %mul3A_424 : vector<16xf32>
      %select_n3A_426 = arith.select %ge3A_3, %broadcast_in_dim3A_4, %add3A_425 : vector<16xi1>, vector<16xf32>
      %swap3A_427 = arith.constant 9 : i64
      %swap3A_428 = arith.constant 0 : i64
      %swap3A_429 = arith.index_cast %swap3A_427 : i64 to index
      %swap3A_430 = arith.index_cast %swap3A_428 : i64 to index
      %swap3A_431 = arith.constant 0 : index
      %swap3A_432 = tpu.vector_load %arg5[%swap3A_429, %swap3A_430, %swap3A_431] {strides = array<i32>} : memref<20x2x16xf32, #tpu.memory_space<vmem>>, vector<16xf32>,
      tpu.vector_store %arg5[%swap3A_429, %swap3A_430, %swap3A_431], %add3A_420 {strides = array<i32>} : memref<20x2x16xf32, #tpu.memory_space<vmem>>, vector<16xf32>,
      %swap3A_433 = arith.constant 9 : i64
      %swap3A_434 = arith.constant 1 : i64
      %swap3A_435 = arith.index_cast %swap3A_433 : i64 to index
      %swap3A_436 = arith.index_cast %swap3A_434 : i64 to index
      %swap3A_437 = arith.constant 0 : index
      %swap3A_438 = tpu.vector_load %arg5[%swap3A_435, %swap3A_436, %swap3A_437] {strides = array<i32>} : memref<20x2x16xf32, #tpu.memory_space<vmem>>, vector<16xf32>,
      tpu.vector_store %arg5[%swap3A_435, %swap3A_436, %swap3A_437], %select_n3A_426 {strides = array<i32>} : memref<20x2x16xf32, #tpu.memory_space<vmem>>, vector<16xf32>,
      %slice3A_439 = vector.extract_strided_slice %gather3A {offsets = [10], sizes = [1], strides = [1]} : vector<16xf32> to vector<1xf32>
      %squeeze3A_440 = vector.extract %slice3A_439[0] : f32 from vector<1xf32>
      %slice3A_441 = vector.extract_strided_slice %gather3A_21 {offsets = [10], sizes = [1], strides = [1]} : vector<16xf32> to vector<1xf32>
      %squeeze3A_442 = vector.extract %slice3A_441[0] : f32 from vector<1xf32>
      %slice3A_443 = vector.extract_strided_slice %gather3A_25 {offsets = [10], sizes = [1], strides = [1]} : vector<16xf32> to vector<1xf32>
      %squeeze3A_444 = vector.extract %slice3A_443[0] : f32 from vector<1xf32>
      %sub3A_445 = vector.broadcast %squeeze3A_440 : f32 to vector<16xf32>
      %sub3A_446 = arith.subf %gather3A, %sub3A_445 : vector<16xf32>
      %sub3A_447 = vector.broadcast %squeeze3A_442 : f32 to vector<16xf32>
      %sub3A_448 = arith.subf %gather3A_21, %sub3A_447 : vector<16xf32>
      %sub3A_449 = vector.broadcast %squeeze3A_444 : f32 to vector<16xf32>
      %sub3A_450 = arith.subf %gather3A_25, %sub3A_449 : vector<16xf32>
      %sub3A_451 = vector.broadcast %squeeze3A_440 : f32 to vector<16xf32>
      %sub3A_452 = arith.subf %gather3A_26, %sub3A_451 : vector<16xf32>
      %sub3A_453 = vector.broadcast %squeeze3A_442 : f32 to vector<16xf32>
      %sub3A_454 = arith.subf %gather3A_30, %sub3A_453 : vector<16xf32>
      %sub3A_455 = vector.broadcast %squeeze3A_444 : f32 to vector<16xf32>
      %sub3A_456 = arith.subf %gather3A_34, %sub3A_455 : vector<16xf32>
      %mul3A_457 = arith.mulf %sub3A_446, %sub3A_446 : vector<16xf32>
      %mul3A_458 = arith.mulf %sub3A_448, %sub3A_448 : vector<16xf32>
      %add3A_459 = arith.addf %mul3A_457, %mul3A_458 : vector<16xf32>
      %mul3A_460 = arith.mulf %sub3A_450, %sub3A_450 : vector<16xf32>
      %add3A_461 = arith.addf %add3A_459, %mul3A_460 : vector<16xf32>
      %mul3A_462 = arith.mulf %sub3A_452, %sub3A_452 : vector<16xf32>
      %mul3A_463 = arith.mulf %sub3A_454, %sub3A_454 : vector<16xf32>
      %add3A_464 = arith.addf %mul3A_462, %mul3A_463 : vector<16xf32>
      %mul3A_465 = arith.mulf %sub3A_456, %sub3A_456 : vector<16xf32>
      %add3A_466 = arith.addf %add3A_464, %mul3A_465 : vector<16xf32>
      %select_n3A_467 = arith.select %ge3A_3, %broadcast_in_dim3A_4, %add3A_466 : vector<16xi1>, vector<16xf32>
      %swap3A_468 = arith.constant 10 : i64
      %swap3A_469 = arith.constant 0 : i64
      %swap3A_470 = arith.index_cast %swap3A_468 : i64 to index
      %swap3A_471 = arith.index_cast %swap3A_469 : i64 to index
      %swap3A_472 = arith.constant 0 : index
      %swap3A_473 = tpu.vector_load %arg5[%swap3A_470, %swap3A_471, %swap3A_472] {strides = array<i32>} : memref<20x2x16xf32, #tpu.memory_space<vmem>>, vector<16xf32>,
      tpu.vector_store %arg5[%swap3A_470, %swap3A_471, %swap3A_472], %add3A_461 {strides = array<i32>} : memref<20x2x16xf32, #tpu.memory_space<vmem>>, vector<16xf32>,
      %swap3A_474 = arith.constant 10 : i64
      %swap3A_475 = arith.constant 1 : i64
      %swap3A_476 = arith.index_cast %swap3A_474 : i64 to index
      %swap3A_477 = arith.index_cast %swap3A_475 : i64 to index
      %swap3A_478 = arith.constant 0 : index
      %swap3A_479 = tpu.vector_load %arg5[%swap3A_476, %swap3A_477, %swap3A_478] {strides = array<i32>} : memref<20x2x16xf32, #tpu.memory_space<vmem>>, vector<16xf32>,
      tpu.vector_store %arg5[%swap3A_476, %swap3A_477, %swap3A_478], %select_n3A_467 {strides = array<i32>} : memref<20x2x16xf32, #tpu.memory_space<vmem>>, vector<16xf32>,
      %slice3A_480 = vector.extract_strided_slice %gather3A {offsets = [11], sizes = [1], strides = [1]} : vector<16xf32> to vector<1xf32>
      %squeeze3A_481 = vector.extract %slice3A_480[0] : f32 from vector<1xf32>
      %slice3A_482 = vector.extract_strided_slice %gather3A_21 {offsets = [11], sizes = [1], strides = [1]} : vector<16xf32> to vector<1xf32>
      %squeeze3A_483 = vector.extract %slice3A_482[0] : f32 from vector<1xf32>
      %slice3A_484 = vector.extract_strided_slice %gather3A_25 {offsets = [11], sizes = [1], strides = [1]} : vector<16xf32> to vector<1xf32>
      %squeeze3A_485 = vector.extract %slice3A_484[0] : f32 from vector<1xf32>
      %sub3A_486 = vector.broadcast %squeeze3A_481 : f32 to vector<16xf32>
      %sub3A_487 = arith.subf %gather3A, %sub3A_486 : vector<16xf32>
      %sub3A_488 = vector.broadcast %squeeze3A_483 : f32 to vector<16xf32>
      %sub3A_489 = arith.subf %gather3A_21, %sub3A_488 : vector<16xf32>
      %sub3A_490 = vector.broadcast %squeeze3A_485 : f32 to vector<16xf32>
      %sub3A_491 = arith.subf %gather3A_25, %sub3A_490 : vector<16xf32>
      %sub3A_492 = vector.broadcast %squeeze3A_481 : f32 to vector<16xf32>
      %sub3A_493 = arith.subf %gather3A_26, %sub3A_492 : vector<16xf32>
      %sub3A_494 = vector.broadcast %squeeze3A_483 : f32 to vector<16xf32>
      %sub3A_495 = arith.subf %gather3A_30, %sub3A_494 : vector<16xf32>
      %sub3A_496 = vector.broadcast %squeeze3A_485 : f32 to vector<16xf32>
      %sub3A_497 = arith.subf %gather3A_34, %sub3A_496 : vector<16xf32>
      %mul3A_498 = arith.mulf %sub3A_487, %sub3A_487 : vector<16xf32>
      %mul3A_499 = arith.mulf %sub3A_489, %sub3A_489 : vector<16xf32>
      %add3A_500 = arith.addf %mul3A_498, %mul3A_499 : vector<16xf32>
      %mul3A_501 = arith.mulf %sub3A_491, %sub3A_491 : vector<16xf32>
      %add3A_502 = arith.addf %add3A_500, %mul3A_501 : vector<16xf32>
      %mul3A_503 = arith.mulf %sub3A_493, %sub3A_493 : vector<16xf32>
      %mul3A_504 = arith.mulf %sub3A_495, %sub3A_495 : vector<16xf32>
      %add3A_505 = arith.addf %mul3A_503, %mul3A_504 : vector<16xf32>
      %mul3A_506 = arith.mulf %sub3A_497, %sub3A_497 : vector<16xf32>
      %add3A_507 = arith.addf %add3A_505, %mul3A_506 : vector<16xf32>
      %select_n3A_508 = arith.select %ge3A_3, %broadcast_in_dim3A_4, %add3A_507 : vector<16xi1>, vector<16xf32>
      %swap3A_509 = arith.constant 11 : i64
      %swap3A_510 = arith.constant 0 : i64
      %swap3A_511 = arith.index_cast %swap3A_509 : i64 to index
      %swap3A_512 = arith.index_cast %swap3A_510 : i64 to index
      %swap3A_513 = arith.constant 0 : index
      %swap3A_514 = tpu.vector_load %arg5[%swap3A_511, %swap3A_512, %swap3A_513] {strides = array<i32>} : memref<20x2x16xf32, #tpu.memory_space<vmem>>, vector<16xf32>,
      tpu.vector_store %arg5[%swap3A_511, %swap3A_512, %swap3A_513], %add3A_502 {strides = array<i32>} : memref<20x2x16xf32, #tpu.memory_space<vmem>>, vector<16xf32>,
      %swap3A_515 = arith.constant 11 : i64
      %swap3A_516 = arith.constant 1 : i64
      %swap3A_517 = arith.index_cast %swap3A_515 : i64 to index
      %swap3A_518 = arith.index_cast %swap3A_516 : i64 to index
      %swap3A_519 = arith.constant 0 : index
      %swap3A_520 = tpu.vector_load %arg5[%swap3A_517, %swap3A_518, %swap3A_519] {strides = array<i32>} : memref<20x2x16xf32, #tpu.memory_space<vmem>>, vector<16xf32>,
      tpu.vector_store %arg5[%swap3A_517, %swap3A_518, %swap3A_519], %select_n3A_508 {strides = array<i32>} : memref<20x2x16xf32, #tpu.memory_space<vmem>>, vector<16xf32>,
      %slice3A_521 = vector.extract_strided_slice %gather3A {offsets = [12], sizes = [1], strides = [1]} : vector<16xf32> to vector<1xf32>
      %squeeze3A_522 = vector.extract %slice3A_521[0] : f32 from vector<1xf32>
      %slice3A_523 = vector.extract_strided_slice %gather3A_21 {offsets = [12], sizes = [1], strides = [1]} : vector<16xf32> to vector<1xf32>
      %squeeze3A_524 = vector.extract %slice3A_523[0] : f32 from vector<1xf32>
      %slice3A_525 = vector.extract_strided_slice %gather3A_25 {offsets = [12], sizes = [1], strides = [1]} : vector<16xf32> to vector<1xf32>
      %squeeze3A_526 = vector.extract %slice3A_525[0] : f32 from vector<1xf32>
      %sub3A_527 = vector.broadcast %squeeze3A_522 : f32 to vector<16xf32>
      %sub3A_528 = arith.subf %gather3A, %sub3A_527 : vector<16xf32>
      %sub3A_529 = vector.broadcast %squeeze3A_524 : f32 to vector<16xf32>
      %sub3A_530 = arith.subf %gather3A_21, %sub3A_529 : vector<16xf32>
      %sub3A_531 = vector.broadcast %squeeze3A_526 : f32 to vector<16xf32>
      %sub3A_532 = arith.subf %gather3A_25, %sub3A_531 : vector<16xf32>
      %sub3A_533 = vector.broadcast %squeeze3A_522 : f32 to vector<16xf32>
      %sub3A_534 = arith.subf %gather3A_26, %sub3A_533 : vector<16xf32>
      %sub3A_535 = vector.broadcast %squeeze3A_524 : f32 to vector<16xf32>
      %sub3A_536 = arith.subf %gather3A_30, %sub3A_535 : vector<16xf32>
      %sub3A_537 = vector.broadcast %squeeze3A_526 : f32 to vector<16xf32>
      %sub3A_538 = arith.subf %gather3A_34, %sub3A_537 : vector<16xf32>
      %mul3A_539 = arith.mulf %sub3A_528, %sub3A_528 : vector<16xf32>
      %mul3A_540 = arith.mulf %sub3A_530, %sub3A_530 : vector<16xf32>
      %add3A_541 = arith.addf %mul3A_539, %mul3A_540 : vector<16xf32>
      %mul3A_542 = arith.mulf %sub3A_532, %sub3A_532 : vector<16xf32>
      %add3A_543 = arith.addf %add3A_541, %mul3A_542 : vector<16xf32>
      %mul3A_544 = arith.mulf %sub3A_534, %sub3A_534 : vector<16xf32>
      %mul3A_545 = arith.mulf %sub3A_536, %sub3A_536 : vector<16xf32>
      %add3A_546 = arith.addf %mul3A_544, %mul3A_545 : vector<16xf32>
      %mul3A_547 = arith.mulf %sub3A_538, %sub3A_538 : vector<16xf32>
      %add3A_548 = arith.addf %add3A_546, %mul3A_547 : vector<16xf32>
      %select_n3A_549 = arith.select %ge3A_3, %broadcast_in_dim3A_4, %add3A_548 : vector<16xi1>, vector<16xf32>
      %swap3A_550 = arith.constant 12 : i64
      %swap3A_551 = arith.constant 0 : i64
      %swap3A_552 = arith.index_cast %swap3A_550 : i64 to index
      %swap3A_553 = arith.index_cast %swap3A_551 : i64 to index
      %swap3A_554 = arith.constant 0 : index
      %swap3A_555 = tpu.vector_load %arg5[%swap3A_552, %swap3A_553, %swap3A_554] {strides = array<i32>} : memref<20x2x16xf32, #tpu.memory_space<vmem>>, vector<16xf32>,
      tpu.vector_store %arg5[%swap3A_552, %swap3A_553, %swap3A_554], %add3A_543 {strides = array<i32>} : memref<20x2x16xf32, #tpu.memory_space<vmem>>, vector<16xf32>,
      %swap3A_556 = arith.constant 12 : i64
      %swap3A_557 = arith.constant 1 : i64
      %swap3A_558 = arith.index_cast %swap3A_556 : i64 to index
      %swap3A_559 = arith.index_cast %swap3A_557 : i64 to index
      %swap3A_560 = arith.constant 0 : index
      %swap3A_561 = tpu.vector_load %arg5[%swap3A_558, %swap3A_559, %swap3A_560] {strides = array<i32>} : memref<20x2x16xf32, #tpu.memory_space<vmem>>, vector<16xf32>,
      tpu.vector_store %arg5[%swap3A_558, %swap3A_559, %swap3A_560], %select_n3A_549 {strides = array<i32>} : memref<20x2x16xf32, #tpu.memory_space<vmem>>, vector<16xf32>,
      %slice3A_562 = vector.extract_strided_slice %gather3A {offsets = [13], sizes = [1], strides = [1]} : vector<16xf32> to vector<1xf32>
      %squeeze3A_563 = vector.extract %slice3A_562[0] : f32 from vector<1xf32>
      %slice3A_564 = vector.extract_strided_slice %gather3A_21 {offsets = [13], sizes = [1], strides = [1]} : vector<16xf32> to vector<1xf32>
      %squeeze3A_565 = vector.extract %slice3A_564[0] : f32 from vector<1xf32>
      %slice3A_566 = vector.extract_strided_slice %gather3A_25 {offsets = [13], sizes = [1], strides = [1]} : vector<16xf32> to vector<1xf32>
      %squeeze3A_567 = vector.extract %slice3A_566[0] : f32 from vector<1xf32>
      %sub3A_568 = vector.broadcast %squeeze3A_563 : f32 to vector<16xf32>
      %sub3A_569 = arith.subf %gather3A, %sub3A_568 : vector<16xf32>
      %sub3A_570 = vector.broadcast %squeeze3A_565 : f32 to vector<16xf32>
      %sub3A_571 = arith.subf %gather3A_21, %sub3A_570 : vector<16xf32>
      %sub3A_572 = vector.broadcast %squeeze3A_567 : f32 to vector<16xf32>
      %sub3A_573 = arith.subf %gather3A_25, %sub3A_572 : vector<16xf32>
      %sub3A_574 = vector.broadcast %squeeze3A_563 : f32 to vector<16xf32>
      %sub3A_575 = arith.subf %gather3A_26, %sub3A_574 : vector<16xf32>
      %sub3A_576 = vector.broadcast %squeeze3A_565 : f32 to vector<16xf32>
      %sub3A_577 = arith.subf %gather3A_30, %sub3A_576 : vector<16xf32>
      %sub3A_578 = vector.broadcast %squeeze3A_567 : f32 to vector<16xf32>
      %sub3A_579 = arith.subf %gather3A_34, %sub3A_578 : vector<16xf32>
      %mul3A_580 = arith.mulf %sub3A_569, %sub3A_569 : vector<16xf32>
      %mul3A_581 = arith.mulf %sub3A_571, %sub3A_571 : vector<16xf32>
      %add3A_582 = arith.addf %mul3A_580, %mul3A_581 : vector<16xf32>
      %mul3A_583 = arith.mulf %sub3A_573, %sub3A_573 : vector<16xf32>
      %add3A_584 = arith.addf %add3A_582, %mul3A_583 : vector<16xf32>
      %mul3A_585 = arith.mulf %sub3A_575, %sub3A_575 : vector<16xf32>
      %mul3A_586 = arith.mulf %sub3A_577, %sub3A_577 : vector<16xf32>
      %add3A_587 = arith.addf %mul3A_585, %mul3A_586 : vector<16xf32>
      %mul3A_588 = arith.mulf %sub3A_579, %sub3A_579 : vector<16xf32>
      %add3A_589 = arith.addf %add3A_587, %mul3A_588 : vector<16xf32>
      %select_n3A_590 = arith.select %ge3A_3, %broadcast_in_dim3A_4, %add3A_589 : vector<16xi1>, vector<16xf32>
      %swap3A_591 = arith.constant 13 : i64
      %swap3A_592 = arith.constant 0 : i64
      %swap3A_593 = arith.index_cast %swap3A_591 : i64 to index
      %swap3A_594 = arith.index_cast %swap3A_592 : i64 to index
      %swap3A_595 = arith.constant 0 : index
      %swap3A_596 = tpu.vector_load %arg5[%swap3A_593, %swap3A_594, %swap3A_595] {strides = array<i32>} : memref<20x2x16xf32, #tpu.memory_space<vmem>>, vector<16xf32>,
      tpu.vector_store %arg5[%swap3A_593, %swap3A_594, %swap3A_595], %add3A_584 {strides = array<i32>} : memref<20x2x16xf32, #tpu.memory_space<vmem>>, vector<16xf32>,
      %swap3A_597 = arith.constant 13 : i64
      %swap3A_598 = arith.constant 1 : i64
      %swap3A_599 = arith.index_cast %swap3A_597 : i64 to index
      %swap3A_600 = arith.index_cast %swap3A_598 : i64 to index
      %swap3A_601 = arith.constant 0 : index
      %swap3A_602 = tpu.vector_load %arg5[%swap3A_599, %swap3A_600, %swap3A_601] {strides = array<i32>} : memref<20x2x16xf32, #tpu.memory_space<vmem>>, vector<16xf32>,
      tpu.vector_store %arg5[%swap3A_599, %swap3A_600, %swap3A_601], %select_n3A_590 {strides = array<i32>} : memref<20x2x16xf32, #tpu.memory_space<vmem>>, vector<16xf32>,
      %slice3A_603 = vector.extract_strided_slice %gather3A {offsets = [14], sizes = [1], strides = [1]} : vector<16xf32> to vector<1xf32>
      %squeeze3A_604 = vector.extract %slice3A_603[0] : f32 from vector<1xf32>
      %slice3A_605 = vector.extract_strided_slice %gather3A_21 {offsets = [14], sizes = [1], strides = [1]} : vector<16xf32> to vector<1xf32>
      %squeeze3A_606 = vector.extract %slice3A_605[0] : f32 from vector<1xf32>
      %slice3A_607 = vector.extract_strided_slice %gather3A_25 {offsets = [14], sizes = [1], strides = [1]} : vector<16xf32> to vector<1xf32>
      %squeeze3A_608 = vector.extract %slice3A_607[0] : f32 from vector<1xf32>
      %sub3A_609 = vector.broadcast %squeeze3A_604 : f32 to vector<16xf32>
      %sub3A_610 = arith.subf %gather3A, %sub3A_609 : vector<16xf32>
      %sub3A_611 = vector.broadcast %squeeze3A_606 : f32 to vector<16xf32>
      %sub3A_612 = arith.subf %gather3A_21, %sub3A_611 : vector<16xf32>
      %sub3A_613 = vector.broadcast %squeeze3A_608 : f32 to vector<16xf32>
      %sub3A_614 = arith.subf %gather3A_25, %sub3A_613 : vector<16xf32>
      %sub3A_615 = vector.broadcast %squeeze3A_604 : f32 to vector<16xf32>
      %sub3A_616 = arith.subf %gather3A_26, %sub3A_615 : vector<16xf32>
      %sub3A_617 = vector.broadcast %squeeze3A_606 : f32 to vector<16xf32>
      %sub3A_618 = arith.subf %gather3A_30, %sub3A_617 : vector<16xf32>
      %sub3A_619 = vector.broadcast %squeeze3A_608 : f32 to vector<16xf32>
      %sub3A_620 = arith.subf %gather3A_34, %sub3A_619 : vector<16xf32>
      %mul3A_621 = arith.mulf %sub3A_610, %sub3A_610 : vector<16xf32>
      %mul3A_622 = arith.mulf %sub3A_612, %sub3A_612 : vector<16xf32>
      %add3A_623 = arith.addf %mul3A_621, %mul3A_622 : vector<16xf32>
      %mul3A_624 = arith.mulf %sub3A_614, %sub3A_614 : vector<16xf32>
      %add3A_625 = arith.addf %add3A_623, %mul3A_624 : vector<16xf32>
      %mul3A_626 = arith.mulf %sub3A_616, %sub3A_616 : vector<16xf32>
      %mul3A_627 = arith.mulf %sub3A_618, %sub3A_618 : vector<16xf32>
      %add3A_628 = arith.addf %mul3A_626, %mul3A_627 : vector<16xf32>
      %mul3A_629 = arith.mulf %sub3A_620, %sub3A_620 : vector<16xf32>
      %add3A_630 = arith.addf %add3A_628, %mul3A_629 : vector<16xf32>
      %select_n3A_631 = arith.select %ge3A_3, %broadcast_in_dim3A_4, %add3A_630 : vector<16xi1>, vector<16xf32>
      %swap3A_632 = arith.constant 14 : i64
      %swap3A_633 = arith.constant 0 : i64
      %swap3A_634 = arith.index_cast %swap3A_632 : i64 to index
      %swap3A_635 = arith.index_cast %swap3A_633 : i64 to index
      %swap3A_636 = arith.constant 0 : index
      %swap3A_637 = tpu.vector_load %arg5[%swap3A_634, %swap3A_635, %swap3A_636] {strides = array<i32>} : memref<20x2x16xf32, #tpu.memory_space<vmem>>, vector<16xf32>,
      tpu.vector_store %arg5[%swap3A_634, %swap3A_635, %swap3A_636], %add3A_625 {strides = array<i32>} : memref<20x2x16xf32, #tpu.memory_space<vmem>>, vector<16xf32>,
      %swap3A_638 = arith.constant 14 : i64
      %swap3A_639 = arith.constant 1 : i64
      %swap3A_640 = arith.index_cast %swap3A_638 : i64 to index
      %swap3A_641 = arith.index_cast %swap3A_639 : i64 to index
      %swap3A_642 = arith.constant 0 : index
      %swap3A_643 = tpu.vector_load %arg5[%swap3A_640, %swap3A_641, %swap3A_642] {strides = array<i32>} : memref<20x2x16xf32, #tpu.memory_space<vmem>>, vector<16xf32>,
      tpu.vector_store %arg5[%swap3A_640, %swap3A_641, %swap3A_642], %select_n3A_631 {strides = array<i32>} : memref<20x2x16xf32, #tpu.memory_space<vmem>>, vector<16xf32>,
      %slice3A_644 = vector.extract_strided_slice %gather3A {offsets = [15], sizes = [1], strides = [1]} : vector<16xf32> to vector<1xf32>
      %squeeze3A_645 = vector.extract %slice3A_644[0] : f32 from vector<1xf32>
      %slice3A_646 = vector.extract_strided_slice %gather3A_21 {offsets = [15], sizes = [1], strides = [1]} : vector<16xf32> to vector<1xf32>
      %squeeze3A_647 = vector.extract %slice3A_646[0] : f32 from vector<1xf32>
      %slice3A_648 = vector.extract_strided_slice %gather3A_25 {offsets = [15], sizes = [1], strides = [1]} : vector<16xf32> to vector<1xf32>
      %squeeze3A_649 = vector.extract %slice3A_648[0] : f32 from vector<1xf32>
      %sub3A_650 = vector.broadcast %squeeze3A_645 : f32 to vector<16xf32>
      %sub3A_651 = arith.subf %gather3A, %sub3A_650 : vector<16xf32>
      %sub3A_652 = vector.broadcast %squeeze3A_647 : f32 to vector<16xf32>
      %sub3A_653 = arith.subf %gather3A_21, %sub3A_652 : vector<16xf32>
      %sub3A_654 = vector.broadcast %squeeze3A_649 : f32 to vector<16xf32>
      %sub3A_655 = arith.subf %gather3A_25, %sub3A_654 : vector<16xf32>
      %sub3A_656 = vector.broadcast %squeeze3A_645 : f32 to vector<16xf32>
      %sub3A_657 = arith.subf %gather3A_26, %sub3A_656 : vector<16xf32>
      %sub3A_658 = vector.broadcast %squeeze3A_647 : f32 to vector<16xf32>
      %sub3A_659 = arith.subf %gather3A_30, %sub3A_658 : vector<16xf32>
      %sub3A_660 = vector.broadcast %squeeze3A_649 : f32 to vector<16xf32>
      %sub3A_661 = arith.subf %gather3A_34, %sub3A_660 : vector<16xf32>
      %mul3A_662 = arith.mulf %sub3A_651, %sub3A_651 : vector<16xf32>
      %mul3A_663 = arith.mulf %sub3A_653, %sub3A_653 : vector<16xf32>
      %add3A_664 = arith.addf %mul3A_662, %mul3A_663 : vector<16xf32>
      %mul3A_665 = arith.mulf %sub3A_655, %sub3A_655 : vector<16xf32>
      %add3A_666 = arith.addf %add3A_664, %mul3A_665 : vector<16xf32>
      %mul3A_667 = arith.mulf %sub3A_657, %sub3A_657 : vector<16xf32>
      %mul3A_668 = arith.mulf %sub3A_659, %sub3A_659 : vector<16xf32>
      %add3A_669 = arith.addf %mul3A_667, %mul3A_668 : vector<16xf32>
      %mul3A_670 = arith.mulf %sub3A_661, %sub3A_661 : vector<16xf32>
      %add3A_671 = arith.addf %add3A_669, %mul3A_670 : vector<16xf32>
      %select_n3A_672 = arith.select %ge3A_3, %broadcast_in_dim3A_4, %add3A_671 : vector<16xi1>, vector<16xf32>
      %swap3A_673 = arith.constant 15 : i64
      %swap3A_674 = arith.constant 0 : i64
      %swap3A_675 = arith.index_cast %swap3A_673 : i64 to index
      %swap3A_676 = arith.index_cast %swap3A_674 : i64 to index
      %swap3A_677 = arith.constant 0 : index
      %swap3A_678 = tpu.vector_load %arg5[%swap3A_675, %swap3A_676, %swap3A_677] {strides = array<i32>} : memref<20x2x16xf32, #tpu.memory_space<vmem>>, vector<16xf32>,
      tpu.vector_store %arg5[%swap3A_675, %swap3A_676, %swap3A_677], %add3A_666 {strides = array<i32>} : memref<20x2x16xf32, #tpu.memory_space<vmem>>, vector<16xf32>,
      %swap3A_679 = arith.constant 15 : i64
      %swap3A_680 = arith.constant 1 : i64
      %swap3A_681 = arith.index_cast %swap3A_679 : i64 to index
      %swap3A_682 = arith.index_cast %swap3A_680 : i64 to index
      %swap3A_683 = arith.constant 0 : index
      %swap3A_684 = tpu.vector_load %arg5[%swap3A_681, %swap3A_682, %swap3A_683] {strides = array<i32>} : memref<20x2x16xf32, #tpu.memory_space<vmem>>, vector<16xf32>,
      tpu.vector_store %arg5[%swap3A_681, %swap3A_682, %swap3A_683], %select_n3A_672 {strides = array<i32>} : memref<20x2x16xf32, #tpu.memory_space<vmem>>, vector<16xf32>,
      %slice3A_685 = vector.extract_strided_slice %gather3A_26 {offsets = [0], sizes = [1], strides = [1]} : vector<16xf32> to vector<1xf32>
      %squeeze3A_686 = vector.extract %slice3A_685[0] : f32 from vector<1xf32>
      %slice3A_687 = vector.extract_strided_slice %gather3A_30 {offsets = [0], sizes = [1], strides = [1]} : vector<16xf32> to vector<1xf32>
      %squeeze3A_688 = vector.extract %slice3A_687[0] : f32 from vector<1xf32>
      %slice3A_689 = vector.extract_strided_slice %gather3A_34 {offsets = [0], sizes = [1], strides = [1]} : vector<16xf32> to vector<1xf32>
      %squeeze3A_690 = vector.extract %slice3A_689[0] : f32 from vector<1xf32>
      %sub3A_691 = vector.broadcast %squeeze3A_686 : f32 to vector<16xf32>
      %sub3A_692 = arith.subf %gather3A, %sub3A_691 : vector<16xf32>
      %sub3A_693 = vector.broadcast %squeeze3A_688 : f32 to vector<16xf32>
      %sub3A_694 = arith.subf %gather3A_21, %sub3A_693 : vector<16xf32>
      %sub3A_695 = vector.broadcast %squeeze3A_690 : f32 to vector<16xf32>
      %sub3A_696 = arith.subf %gather3A_25, %sub3A_695 : vector<16xf32>
      %sub3A_697 = vector.broadcast %squeeze3A_686 : f32 to vector<16xf32>
      %sub3A_698 = arith.subf %gather3A_26, %sub3A_697 : vector<16xf32>
      %sub3A_699 = vector.broadcast %squeeze3A_688 : f32 to vector<16xf32>
      %sub3A_700 = arith.subf %gather3A_30, %sub3A_699 : vector<16xf32>
      %sub3A_701 = vector.broadcast %squeeze3A_690 : f32 to vector<16xf32>
      %sub3A_702 = arith.subf %gather3A_34, %sub3A_701 : vector<16xf32>
      %mul3A_703 = arith.mulf %sub3A_692, %sub3A_692 : vector<16xf32>
      %mul3A_704 = arith.mulf %sub3A_694, %sub3A_694 : vector<16xf32>
      %add3A_705 = arith.addf %mul3A_703, %mul3A_704 : vector<16xf32>
      %mul3A_706 = arith.mulf %sub3A_696, %sub3A_696 : vector<16xf32>
      %add3A_707 = arith.addf %add3A_705, %mul3A_706 : vector<16xf32>
      %mul3A_708 = arith.mulf %sub3A_698, %sub3A_698 : vector<16xf32>
      %mul3A_709 = arith.mulf %sub3A_700, %sub3A_700 : vector<16xf32>
      %add3A_710 = arith.addf %mul3A_708, %mul3A_709 : vector<16xf32>
      %mul3A_711 = arith.mulf %sub3A_702, %sub3A_702 : vector<16xf32>
      %add3A_712 = arith.addf %add3A_710, %mul3A_711 : vector<16xf32>
      %select_n3A_713 = arith.select %ge3A_3, %broadcast_in_dim3A_4, %add3A_712 : vector<16xi1>, vector<16xf32>
      %swap3A_714 = arith.constant 16 : i64
      %swap3A_715 = arith.constant 0 : i64
      %swap3A_716 = arith.index_cast %swap3A_714 : i64 to index
      %swap3A_717 = arith.index_cast %swap3A_715 : i64 to index
      %swap3A_718 = arith.constant 0 : index
      %swap3A_719 = tpu.vector_load %arg5[%swap3A_716, %swap3A_717, %swap3A_718] {strides = array<i32>} : memref<20x2x16xf32, #tpu.memory_space<vmem>>, vector<16xf32>,
      tpu.vector_store %arg5[%swap3A_716, %swap3A_717, %swap3A_718], %add3A_707 {strides = array<i32>} : memref<20x2x16xf32, #tpu.memory_space<vmem>>, vector<16xf32>,
      %swap3A_720 = arith.constant 16 : i64
      %swap3A_721 = arith.constant 1 : i64
      %swap3A_722 = arith.index_cast %swap3A_720 : i64 to index
      %swap3A_723 = arith.index_cast %swap3A_721 : i64 to index
      %swap3A_724 = arith.constant 0 : index
      %swap3A_725 = tpu.vector_load %arg5[%swap3A_722, %swap3A_723, %swap3A_724] {strides = array<i32>} : memref<20x2x16xf32, #tpu.memory_space<vmem>>, vector<16xf32>,
      tpu.vector_store %arg5[%swap3A_722, %swap3A_723, %swap3A_724], %select_n3A_713 {strides = array<i32>} : memref<20x2x16xf32, #tpu.memory_space<vmem>>, vector<16xf32>,
      %slice3A_726 = vector.extract_strided_slice %gather3A_26 {offsets = [1], sizes = [1], strides = [1]} : vector<16xf32> to vector<1xf32>
      %squeeze3A_727 = vector.extract %slice3A_726[0] : f32 from vector<1xf32>
      %slice3A_728 = vector.extract_strided_slice %gather3A_30 {offsets = [1], sizes = [1], strides = [1]} : vector<16xf32> to vector<1xf32>
      %squeeze3A_729 = vector.extract %slice3A_728[0] : f32 from vector<1xf32>
      %slice3A_730 = vector.extract_strided_slice %gather3A_34 {offsets = [1], sizes = [1], strides = [1]} : vector<16xf32> to vector<1xf32>
      %squeeze3A_731 = vector.extract %slice3A_730[0] : f32 from vector<1xf32>
      %sub3A_732 = vector.broadcast %squeeze3A_727 : f32 to vector<16xf32>
      %sub3A_733 = arith.subf %gather3A, %sub3A_732 : vector<16xf32>
      %sub3A_734 = vector.broadcast %squeeze3A_729 : f32 to vector<16xf32>
      %sub3A_735 = arith.subf %gather3A_21, %sub3A_734 : vector<16xf32>
      %sub3A_736 = vector.broadcast %squeeze3A_731 : f32 to vector<16xf32>
      %sub3A_737 = arith.subf %gather3A_25, %sub3A_736 : vector<16xf32>
      %sub3A_738 = vector.broadcast %squeeze3A_727 : f32 to vector<16xf32>
      %sub3A_739 = arith.subf %gather3A_26, %sub3A_738 : vector<16xf32>
      %sub3A_740 = vector.broadcast %squeeze3A_729 : f32 to vector<16xf32>
      %sub3A_741 = arith.subf %gather3A_30, %sub3A_740 : vector<16xf32>
      %sub3A_742 = vector.broadcast %squeeze3A_731 : f32 to vector<16xf32>
      %sub3A_743 = arith.subf %gather3A_34, %sub3A_742 : vector<16xf32>
      %mul3A_744 = arith.mulf %sub3A_733, %sub3A_733 : vector<16xf32>
      %mul3A_745 = arith.mulf %sub3A_735, %sub3A_735 : vector<16xf32>
      %add3A_746 = arith.addf %mul3A_744, %mul3A_745 : vector<16xf32>
      %mul3A_747 = arith.mulf %sub3A_737, %sub3A_737 : vector<16xf32>
      %add3A_748 = arith.addf %add3A_746, %mul3A_747 : vector<16xf32>
      %mul3A_749 = arith.mulf %sub3A_739, %sub3A_739 : vector<16xf32>
      %mul3A_750 = arith.mulf %sub3A_741, %sub3A_741 : vector<16xf32>
      %add3A_751 = arith.addf %mul3A_749, %mul3A_750 : vector<16xf32>
      %mul3A_752 = arith.mulf %sub3A_743, %sub3A_743 : vector<16xf32>
      %add3A_753 = arith.addf %add3A_751, %mul3A_752 : vector<16xf32>
      %select_n3A_754 = arith.select %ge3A_3, %broadcast_in_dim3A_4, %add3A_753 : vector<16xi1>, vector<16xf32>
      %swap3A_755 = arith.constant 17 : i64
      %swap3A_756 = arith.constant 0 : i64
      %swap3A_757 = arith.index_cast %swap3A_755 : i64 to index
      %swap3A_758 = arith.index_cast %swap3A_756 : i64 to index
      %swap3A_759 = arith.constant 0 : index
      %swap3A_760 = tpu.vector_load %arg5[%swap3A_757, %swap3A_758, %swap3A_759] {strides = array<i32>} : memref<20x2x16xf32, #tpu.memory_space<vmem>>, vector<16xf32>,
      tpu.vector_store %arg5[%swap3A_757, %swap3A_758, %swap3A_759], %add3A_748 {strides = array<i32>} : memref<20x2x16xf32, #tpu.memory_space<vmem>>, vector<16xf32>,
      %swap3A_761 = arith.constant 17 : i64
      %swap3A_762 = arith.constant 1 : i64
      %swap3A_763 = arith.index_cast %swap3A_761 : i64 to index
      %swap3A_764 = arith.index_cast %swap3A_762 : i64 to index
      %swap3A_765 = arith.constant 0 : index
      %swap3A_766 = tpu.vector_load %arg5[%swap3A_763, %swap3A_764, %swap3A_765] {strides = array<i32>} : memref<20x2x16xf32, #tpu.memory_space<vmem>>, vector<16xf32>,
      tpu.vector_store %arg5[%swap3A_763, %swap3A_764, %swap3A_765], %select_n3A_754 {strides = array<i32>} : memref<20x2x16xf32, #tpu.memory_space<vmem>>, vector<16xf32>,
      %slice3A_767 = vector.extract_strided_slice %gather3A_26 {offsets = [2], sizes = [1], strides = [1]} : vector<16xf32> to vector<1xf32>
      %squeeze3A_768 = vector.extract %slice3A_767[0] : f32 from vector<1xf32>
      %slice3A_769 = vector.extract_strided_slice %gather3A_30 {offsets = [2], sizes = [1], strides = [1]} : vector<16xf32> to vector<1xf32>
      %squeeze3A_770 = vector.extract %slice3A_769[0] : f32 from vector<1xf32>
      %slice3A_771 = vector.extract_strided_slice %gather3A_34 {offsets = [2], sizes = [1], strides = [1]} : vector<16xf32> to vector<1xf32>
      %squeeze3A_772 = vector.extract %slice3A_771[0] : f32 from vector<1xf32>
      %sub3A_773 = vector.broadcast %squeeze3A_768 : f32 to vector<16xf32>
      %sub3A_774 = arith.subf %gather3A, %sub3A_773 : vector<16xf32>
      %sub3A_775 = vector.broadcast %squeeze3A_770 : f32 to vector<16xf32>
      %sub3A_776 = arith.subf %gather3A_21, %sub3A_775 : vector<16xf32>
      %sub3A_777 = vector.broadcast %squeeze3A_772 : f32 to vector<16xf32>
      %sub3A_778 = arith.subf %gather3A_25, %sub3A_777 : vector<16xf32>
      %sub3A_779 = vector.broadcast %squeeze3A_768 : f32 to vector<16xf32>
      %sub3A_780 = arith.subf %gather3A_26, %sub3A_779 : vector<16xf32>
      %sub3A_781 = vector.broadcast %squeeze3A_770 : f32 to vector<16xf32>
      %sub3A_782 = arith.subf %gather3A_30, %sub3A_781 : vector<16xf32>
      %sub3A_783 = vector.broadcast %squeeze3A_772 : f32 to vector<16xf32>
      %sub3A_784 = arith.subf %gather3A_34, %sub3A_783 : vector<16xf32>
      %mul3A_785 = arith.mulf %sub3A_774, %sub3A_774 : vector<16xf32>
      %mul3A_786 = arith.mulf %sub3A_776, %sub3A_776 : vector<16xf32>
      %add3A_787 = arith.addf %mul3A_785, %mul3A_786 : vector<16xf32>
      %mul3A_788 = arith.mulf %sub3A_778, %sub3A_778 : vector<16xf32>
      %add3A_789 = arith.addf %add3A_787, %mul3A_788 : vector<16xf32>
      %mul3A_790 = arith.mulf %sub3A_780, %sub3A_780 : vector<16xf32>
      %mul3A_791 = arith.mulf %sub3A_782, %sub3A_782 : vector<16xf32>
      %add3A_792 = arith.addf %mul3A_790, %mul3A_791 : vector<16xf32>
      %mul3A_793 = arith.mulf %sub3A_784, %sub3A_784 : vector<16xf32>
      %add3A_794 = arith.addf %add3A_792, %mul3A_793 : vector<16xf32>
      %select_n3A_795 = arith.select %ge3A_3, %broadcast_in_dim3A_4, %add3A_794 : vector<16xi1>, vector<16xf32>
      %swap3A_796 = arith.constant 18 : i64
      %swap3A_797 = arith.constant 0 : i64
      %swap3A_798 = arith.index_cast %swap3A_796 : i64 to index
      %swap3A_799 = arith.index_cast %swap3A_797 : i64 to index
      %swap3A_800 = arith.constant 0 : index
      %swap3A_801 = tpu.vector_load %arg5[%swap3A_798, %swap3A_799, %swap3A_800] {strides = array<i32>} : memref<20x2x16xf32, #tpu.memory_space<vmem>>, vector<16xf32>,
      tpu.vector_store %arg5[%swap3A_798, %swap3A_799, %swap3A_800], %add3A_789 {strides = array<i32>} : memref<20x2x16xf32, #tpu.memory_space<vmem>>, vector<16xf32>,
      %swap3A_802 = arith.constant 18 : i64
      %swap3A_803 = arith.constant 1 : i64
      %swap3A_804 = arith.index_cast %swap3A_802 : i64 to index
      %swap3A_805 = arith.index_cast %swap3A_803 : i64 to index
      %swap3A_806 = arith.constant 0 : index
      %swap3A_807 = tpu.vector_load %arg5[%swap3A_804, %swap3A_805, %swap3A_806] {strides = array<i32>} : memref<20x2x16xf32, #tpu.memory_space<vmem>>, vector<16xf32>,
      tpu.vector_store %arg5[%swap3A_804, %swap3A_805, %swap3A_806], %select_n3A_795 {strides = array<i32>} : memref<20x2x16xf32, #tpu.memory_space<vmem>>, vector<16xf32>,
      %slice3A_808 = vector.extract_strided_slice %gather3A_26 {offsets = [3], sizes = [1], strides = [1]} : vector<16xf32> to vector<1xf32>
      %squeeze3A_809 = vector.extract %slice3A_808[0] : f32 from vector<1xf32>
      %slice3A_810 = vector.extract_strided_slice %gather3A_30 {offsets = [3], sizes = [1], strides = [1]} : vector<16xf32> to vector<1xf32>
      %squeeze3A_811 = vector.extract %slice3A_810[0] : f32 from vector<1xf32>
      %slice3A_812 = vector.extract_strided_slice %gather3A_34 {offsets = [3], sizes = [1], strides = [1]} : vector<16xf32> to vector<1xf32>
      %squeeze3A_813 = vector.extract %slice3A_812[0] : f32 from vector<1xf32>
      %sub3A_814 = vector.broadcast %squeeze3A_809 : f32 to vector<16xf32>
      %sub3A_815 = arith.subf %gather3A, %sub3A_814 : vector<16xf32>
      %sub3A_816 = vector.broadcast %squeeze3A_811 : f32 to vector<16xf32>
      %sub3A_817 = arith.subf %gather3A_21, %sub3A_816 : vector<16xf32>
      %sub3A_818 = vector.broadcast %squeeze3A_813 : f32 to vector<16xf32>
      %sub3A_819 = arith.subf %gather3A_25, %sub3A_818 : vector<16xf32>
      %sub3A_820 = vector.broadcast %squeeze3A_809 : f32 to vector<16xf32>
      %sub3A_821 = arith.subf %gather3A_26, %sub3A_820 : vector<16xf32>
      %sub3A_822 = vector.broadcast %squeeze3A_811 : f32 to vector<16xf32>
      %sub3A_823 = arith.subf %gather3A_30, %sub3A_822 : vector<16xf32>
      %sub3A_824 = vector.broadcast %squeeze3A_813 : f32 to vector<16xf32>
      %sub3A_825 = arith.subf %gather3A_34, %sub3A_824 : vector<16xf32>
      %mul3A_826 = arith.mulf %sub3A_815, %sub3A_815 : vector<16xf32>
      %mul3A_827 = arith.mulf %sub3A_817, %sub3A_817 : vector<16xf32>
      %add3A_828 = arith.addf %mul3A_826, %mul3A_827 : vector<16xf32>
      %mul3A_829 = arith.mulf %sub3A_819, %sub3A_819 : vector<16xf32>
      %add3A_830 = arith.addf %add3A_828, %mul3A_829 : vector<16xf32>
      %mul3A_831 = arith.mulf %sub3A_821, %sub3A_821 : vector<16xf32>
      %mul3A_832 = arith.mulf %sub3A_823, %sub3A_823 : vector<16xf32>
      %add3A_833 = arith.addf %mul3A_831, %mul3A_832 : vector<16xf32>
      %mul3A_834 = arith.mulf %sub3A_825, %sub3A_825 : vector<16xf32>
      %add3A_835 = arith.addf %add3A_833, %mul3A_834 : vector<16xf32>
      %select_n3A_836 = arith.select %ge3A_3, %broadcast_in_dim3A_4, %add3A_835 : vector<16xi1>, vector<16xf32>
      %swap3A_837 = arith.constant 19 : i64
      %swap3A_838 = arith.constant 0 : i64
      %swap3A_839 = arith.index_cast %swap3A_837 : i64 to index
      %swap3A_840 = arith.index_cast %swap3A_838 : i64 to index
      %swap3A_841 = arith.constant 0 : index
      %swap3A_842 = tpu.vector_load %arg5[%swap3A_839, %swap3A_840, %swap3A_841] {strides = array<i32>} : memref<20x2x16xf32, #tpu.memory_space<vmem>>, vector<16xf32>,
      tpu.vector_store %arg5[%swap3A_839, %swap3A_840, %swap3A_841], %add3A_830 {strides = array<i32>} : memref<20x2x16xf32, #tpu.memory_space<vmem>>, vector<16xf32>,
      %swap3A_843 = arith.constant 19 : i64
      %swap3A_844 = arith.constant 1 : i64
      %swap3A_845 = arith.index_cast %swap3A_843 : i64 to index
      %swap3A_846 = arith.index_cast %swap3A_844 : i64 to index
      %swap3A_847 = arith.constant 0 : index
      %swap3A_848 = tpu.vector_load %arg5[%swap3A_845, %swap3A_846, %swap3A_847] {strides = array<i32>} : memref<20x2x16xf32, #tpu.memory_space<vmem>>, vector<16xf32>,
      tpu.vector_store %arg5[%swap3A_845, %swap3A_846, %swap3A_847], %select_n3A_836 {strides = array<i32>} : memref<20x2x16xf32, #tpu.memory_space<vmem>>, vector<16xf32>,
      %add3A_849 = vector.broadcast %arg1 : i32 to vector<16xi32>
      %add3A_850 = arith.addi %broadcast_in_dim3A_6, %add3A_849 : vector<16xi32>
      %add3A_851 = arith.constant 8 : i32
      %add3A_852 = arith.addi %arg1, %add3A_851 : i32
      %add3A_853 = vector.broadcast %add3A_852 : i32 to vector<16xi32>
      %add3A_854 = arith.addi %broadcast_in_dim3A_6, %add3A_853 : vector<16xi32>
      %gather3A_855 = tpu.vector_load_idx %arg4[%add3A_850, %broadcast_in_dim3A_6] : memref<36x3xf32, #tpu.memory_space<vmem>>[vector<16xi32>, vector<16xi32>], vector<16xf32>,
      %add3A_856 = arith.constant 1 : i32
      %add3A_857 = vector.broadcast %add3A_856 : i32 to vector<16xi32>
      %add3A_858 = arith.addi %broadcast_in_dim3A_6, %add3A_857 : vector<16xi32>
      %gather3A_859 = tpu.vector_load_idx %arg4[%add3A_850, %add3A_858] : memref<36x3xf32, #tpu.memory_space<vmem>>[vector<16xi32>, vector<16xi32>], vector<16xf32>,
      %add3A_860 = arith.constant 2 : i32
      %add3A_861 = vector.broadcast %add3A_860 : i32 to vector<16xi32>
      %add3A_862 = arith.addi %broadcast_in_dim3A_6, %add3A_861 : vector<16xi32>
      %gather3A_863 = tpu.vector_load_idx %arg4[%add3A_850, %add3A_862] : memref<36x3xf32, #tpu.memory_space<vmem>>[vector<16xi32>, vector<16xi32>], vector<16xf32>,
      %sub3A_864 = arith.subf %gather3A, %gather3A_855 : vector<16xf32>
      %sub3A_865 = arith.subf %gather3A_21, %gather3A_859 : vector<16xf32>
      %sub3A_866 = arith.subf %gather3A_25, %gather3A_863 : vector<16xf32>
      %sub3A_867 = arith.subf %gather3A_26, %gather3A_855 : vector<16xf32>
      %sub3A_868 = arith.subf %gather3A_30, %gather3A_859 : vector<16xf32>
      %sub3A_869 = arith.subf %gather3A_34, %gather3A_863 : vector<16xf32>
      %mul3A_870 = arith.mulf %sub3A_864, %sub3A_864 : vector<16xf32>
      %mul3A_871 = arith.mulf %sub3A_865, %sub3A_865 : vector<16xf32>
      %add3A_872 = arith.addf %mul3A_870, %mul3A_871 : vector<16xf32>
      %mul3A_873 = arith.mulf %sub3A_866, %sub3A_866 : vector<16xf32>
      %add3A_874 = arith.addf %add3A_872, %mul3A_873 : vector<16xf32>
      %mul3A_875 = arith.mulf %sub3A_867, %sub3A_867 : vector<16xf32>
      %mul3A_876 = arith.mulf %sub3A_868, %sub3A_868 : vector<16xf32>
      %add3A_877 = arith.addf %mul3A_875, %mul3A_876 : vector<16xf32>
      %mul3A_878 = arith.mulf %sub3A_869, %sub3A_869 : vector<16xf32>
      %add3A_879 = arith.addf %add3A_877, %mul3A_878 : vector<16xf32>
      %select_n3A_880 = arith.select %ge3A_3, %broadcast_in_dim3A_4, %add3A_879 : vector<16xi1>, vector<16xf32>
      %gather3A_881 = tpu.vector_load_idx %arg4[%add3A_854, %broadcast_in_dim3A_6] : memref<36x3xf32, #tpu.memory_space<vmem>>[vector<16xi32>, vector<16xi32>], vector<16xf32>,
      %add3A_882 = arith.constant 1 : i32
      %add3A_883 = vector.broadcast %add3A_882 : i32 to vector<16xi32>
      %add3A_884 = arith.addi %broadcast_in_dim3A_6, %add3A_883 : vector<16xi32>
      %gather3A_885 = tpu.vector_load_idx %arg4[%add3A_854, %add3A_884] : memref<36x3xf32, #tpu.memory_space<vmem>>[vector<16xi32>, vector<16xi32>], vector<16xf32>,
      %add3A_886 = arith.constant 2 : i32
      %add3A_887 = vector.broadcast %add3A_886 : i32 to vector<16xi32>
      %add3A_888 = arith.addi %broadcast_in_dim3A_6, %add3A_887 : vector<16xi32>
      %gather3A_889 = tpu.vector_load_idx %arg4[%add3A_854, %add3A_888] : memref<36x3xf32, #tpu.memory_space<vmem>>[vector<16xi32>, vector<16xi32>], vector<16xf32>,
      %sub3A_890 = arith.subf %gather3A, %gather3A_881 : vector<16xf32>
      %sub3A_891 = arith.subf %gather3A_21, %gather3A_885 : vector<16xf32>
      %sub3A_892 = arith.subf %gather3A_25, %gather3A_889 : vector<16xf32>
      %sub3A_893 = arith.subf %gather3A_26, %gather3A_881 : vector<16xf32>
      %sub3A_894 = arith.subf %gather3A_30, %gather3A_885 : vector<16xf32>
      %sub3A_895 = arith.subf %gather3A_34, %gather3A_889 : vector<16xf32>
      %mul3A_896 = arith.mulf %sub3A_890, %sub3A_890 : vector<16xf32>
      %mul3A_897 = arith.mulf %sub3A_891, %sub3A_891 : vector<16xf32>
      %add3A_898 = arith.addf %mul3A_896, %mul3A_897 : vector<16xf32>
      %mul3A_899 = arith.mulf %sub3A_892, %sub3A_892 : vector<16xf32>
      %add3A_900 = arith.addf %add3A_898, %mul3A_899 : vector<16xf32>
      %mul3A_901 = arith.mulf %sub3A_893, %sub3A_893 : vector<16xf32>
      %mul3A_902 = arith.mulf %sub3A_894, %sub3A_894 : vector<16xf32>
      %add3A_903 = arith.addf %mul3A_901, %mul3A_902 : vector<16xf32>
      %mul3A_904 = arith.mulf %sub3A_895, %sub3A_895 : vector<16xf32>
      %add3A_905 = arith.addf %add3A_903, %mul3A_904 : vector<16xf32>
      %select_n3A_906 = arith.select %ge3A_3, %broadcast_in_dim3A_4, %add3A_905 : vector<16xi1>, vector<16xf32>
      %scan3A = arith.constant 0 : i32
      %scan3A_907 = arith.constant 19 : i32
      %scan3A_908 = arith.addi %scan3A, %scan3A_907 : i32
      %scan3A_909 = arith.constant 1 : i32
      %scan3A_910:2 = scf.for %scan3A_989 = %scan3A to %scan3A_908 step %scan3A_909 iter_args(%scan3A_990 = %add3A_874, %scan3A_991 = %select_n3A_880) -> (vector<16xf32>, vector<16xf32>)  : i32 {
        %slice3A_992 = vector.extract_strided_slice %scan3A_990 {offsets = [0], sizes = [1], strides = [1]} : vector<16xf32> to vector<1xf32>
        %squeeze3A_993 = vector.extract %slice3A_992[0] : f32 from vector<1xf32>
        %broadcast_in_dim3A_994 = vector.broadcast %squeeze3A_993 : f32 to vector<16xf32>
        %get3A = arith.constant 0 : i64
        %get3A_995 = arith.constant 0 : i64
        %get3A_996 = arith.index_cast %get3A : i64 to index
        %get3A_997 = arith.index_cast %get3A_995 : i64 to index
        %get3A_998 = arith.constant 0 : index
        %get3A_999 = tpu.vector_load %arg5[%get3A_996, %get3A_997, %get3A_998] {strides = array<i32>} : memref<20x2x16xf32, #tpu.memory_space<vmem>>, vector<16xf32>,
        %max3A_1000 = arith.maximumf %broadcast_in_dim3A_994, %get3A_999 : vector<16xf32>
        %min3A_1001 = arith.minimumf %scan3A_990, %max3A_1000 : vector<16xf32>
        %get3A_1002 = arith.constant 0 : i64
        %get3A_1003 = arith.constant 1 : i64
        %get3A_1004 = arith.index_cast %get3A_1002 : i64 to index
        %get3A_1005 = arith.index_cast %get3A_1003 : i64 to index
        %get3A_1006 = arith.constant 0 : index
        %get3A_1007 = tpu.vector_load %arg5[%get3A_1004, %get3A_1005, %get3A_1006] {strides = array<i32>} : memref<20x2x16xf32, #tpu.memory_space<vmem>>, vector<16xf32>,
        %max3A_1008 = arith.maximumf %broadcast_in_dim3A_994, %get3A_1007 : vector<16xf32>
        %min3A_1009 = arith.minimumf %scan3A_991, %max3A_1008 : vector<16xf32>
        %slice3A_1010 = vector.extract_strided_slice %scan3A_990 {offsets = [1], sizes = [1], strides = [1]} : vector<16xf32> to vector<1xf32>
        %squeeze3A_1011 = vector.extract %slice3A_1010[0] : f32 from vector<1xf32>
        %broadcast_in_dim3A_1012 = vector.broadcast %squeeze3A_1011 : f32 to vector<16xf32>
        %get3A_1013 = arith.constant 1 : i64
        %get3A_1014 = arith.constant 0 : i64
        %get3A_1015 = arith.index_cast %get3A_1013 : i64 to index
        %get3A_1016 = arith.index_cast %get3A_1014 : i64 to index
        %get3A_1017 = arith.constant 0 : index
        %get3A_1018 = tpu.vector_load %arg5[%get3A_1015, %get3A_1016, %get3A_1017] {strides = array<i32>} : memref<20x2x16xf32, #tpu.memory_space<vmem>>, vector<16xf32>,
        %max3A_1019 = arith.maximumf %broadcast_in_dim3A_1012, %get3A_1018 : vector<16xf32>
        %min3A_1020 = arith.minimumf %min3A_1001, %max3A_1019 : vector<16xf32>
        %get3A_1021 = arith.constant 1 : i64
        %get3A_1022 = arith.constant 1 : i64
        %get3A_1023 = arith.index_cast %get3A_1021 : i64 to index
        %get3A_1024 = arith.index_cast %get3A_1022 : i64 to index
        %get3A_1025 = arith.constant 0 : index
        %get3A_1026 = tpu.vector_load %arg5[%get3A_1023, %get3A_1024, %get3A_1025] {strides = array<i32>} : memref<20x2x16xf32, #tpu.memory_space<vmem>>, vector<16xf32>,
        %max3A_1027 = arith.maximumf %broadcast_in_dim3A_1012, %get3A_1026 : vector<16xf32>
        %min3A_1028 = arith.minimumf %min3A_1009, %max3A_1027 : vector<16xf32>
        %slice3A_1029 = vector.extract_strided_slice %scan3A_990 {offsets = [2], sizes = [1], strides = [1]} : vector<16xf32> to vector<1xf32>
        %squeeze3A_1030 = vector.extract %slice3A_1029[0] : f32 from vector<1xf32>
        %broadcast_in_dim3A_1031 = vector.broadcast %squeeze3A_1030 : f32 to vector<16xf32>
        %get3A_1032 = arith.constant 2 : i64
        %get3A_1033 = arith.constant 0 : i64
        %get3A_1034 = arith.index_cast %get3A_1032 : i64 to index
        %get3A_1035 = arith.index_cast %get3A_1033 : i64 to index
        %get3A_1036 = arith.constant 0 : index
        %get3A_1037 = tpu.vector_load %arg5[%get3A_1034, %get3A_1035, %get3A_1036] {strides = array<i32>} : memref<20x2x16xf32, #tpu.memory_space<vmem>>, vector<16xf32>,
        %max3A_1038 = arith.maximumf %broadcast_in_dim3A_1031, %get3A_1037 : vector<16xf32>
        %min3A_1039 = arith.minimumf %min3A_1020, %max3A_1038 : vector<16xf32>
        %get3A_1040 = arith.constant 2 : i64
        %get3A_1041 = arith.constant 1 : i64
        %get3A_1042 = arith.index_cast %get3A_1040 : i64 to index
        %get3A_1043 = arith.index_cast %get3A_1041 : i64 to index
        %get3A_1044 = arith.constant 0 : index
        %get3A_1045 = tpu.vector_load %arg5[%get3A_1042, %get3A_1043, %get3A_1044] {strides = array<i32>} : memref<20x2x16xf32, #tpu.memory_space<vmem>>, vector<16xf32>,
        %max3A_1046 = arith.maximumf %broadcast_in_dim3A_1031, %get3A_1045 : vector<16xf32>
        %min3A_1047 = arith.minimumf %min3A_1028, %max3A_1046 : vector<16xf32>
        %slice3A_1048 = vector.extract_strided_slice %scan3A_990 {offsets = [3], sizes = [1], strides = [1]} : vector<16xf32> to vector<1xf32>
        %squeeze3A_1049 = vector.extract %slice3A_1048[0] : f32 from vector<1xf32>
        %broadcast_in_dim3A_1050 = vector.broadcast %squeeze3A_1049 : f32 to vector<16xf32>
        %get3A_1051 = arith.constant 3 : i64
        %get3A_1052 = arith.constant 0 : i64
        %get3A_1053 = arith.index_cast %get3A_1051 : i64 to index
        %get3A_1054 = arith.index_cast %get3A_1052 : i64 to index
        %get3A_1055 = arith.constant 0 : index
        %get3A_1056 = tpu.vector_load %arg5[%get3A_1053, %get3A_1054, %get3A_1055] {strides = array<i32>} : memref<20x2x16xf32, #tpu.memory_space<vmem>>, vector<16xf32>,
        %max3A_1057 = arith.maximumf %broadcast_in_dim3A_1050, %get3A_1056 : vector<16xf32>
        %min3A_1058 = arith.minimumf %min3A_1039, %max3A_1057 : vector<16xf32>
        %get3A_1059 = arith.constant 3 : i64
        %get3A_1060 = arith.constant 1 : i64
        %get3A_1061 = arith.index_cast %get3A_1059 : i64 to index
        %get3A_1062 = arith.index_cast %get3A_1060 : i64 to index
        %get3A_1063 = arith.constant 0 : index
        %get3A_1064 = tpu.vector_load %arg5[%get3A_1061, %get3A_1062, %get3A_1063] {strides = array<i32>} : memref<20x2x16xf32, #tpu.memory_space<vmem>>, vector<16xf32>,
        %max3A_1065 = arith.maximumf %broadcast_in_dim3A_1050, %get3A_1064 : vector<16xf32>
        %min3A_1066 = arith.minimumf %min3A_1047, %max3A_1065 : vector<16xf32>
        %slice3A_1067 = vector.extract_strided_slice %scan3A_990 {offsets = [4], sizes = [1], strides = [1]} : vector<16xf32> to vector<1xf32>
        %squeeze3A_1068 = vector.extract %slice3A_1067[0] : f32 from vector<1xf32>
        %broadcast_in_dim3A_1069 = vector.broadcast %squeeze3A_1068 : f32 to vector<16xf32>
        %get3A_1070 = arith.constant 4 : i64
        %get3A_1071 = arith.constant 0 : i64
        %get3A_1072 = arith.index_cast %get3A_1070 : i64 to index
        %get3A_1073 = arith.index_cast %get3A_1071 : i64 to index
        %get3A_1074 = arith.constant 0 : index
        %get3A_1075 = tpu.vector_load %arg5[%get3A_1072, %get3A_1073, %get3A_1074] {strides = array<i32>} : memref<20x2x16xf32, #tpu.memory_space<vmem>>, vector<16xf32>,
        %max3A_1076 = arith.maximumf %broadcast_in_dim3A_1069, %get3A_1075 : vector<16xf32>
        %min3A_1077 = arith.minimumf %min3A_1058, %max3A_1076 : vector<16xf32>
        %get3A_1078 = arith.constant 4 : i64
        %get3A_1079 = arith.constant 1 : i64
        %get3A_1080 = arith.index_cast %get3A_1078 : i64 to index
        %get3A_1081 = arith.index_cast %get3A_1079 : i64 to index
        %get3A_1082 = arith.constant 0 : index
        %get3A_1083 = tpu.vector_load %arg5[%get3A_1080, %get3A_1081, %get3A_1082] {strides = array<i32>} : memref<20x2x16xf32, #tpu.memory_space<vmem>>, vector<16xf32>,
        %max3A_1084 = arith.maximumf %broadcast_in_dim3A_1069, %get3A_1083 : vector<16xf32>
        %min3A_1085 = arith.minimumf %min3A_1066, %max3A_1084 : vector<16xf32>
        %slice3A_1086 = vector.extract_strided_slice %scan3A_990 {offsets = [5], sizes = [1], strides = [1]} : vector<16xf32> to vector<1xf32>
        %squeeze3A_1087 = vector.extract %slice3A_1086[0] : f32 from vector<1xf32>
        %broadcast_in_dim3A_1088 = vector.broadcast %squeeze3A_1087 : f32 to vector<16xf32>
        %get3A_1089 = arith.constant 5 : i64
        %get3A_1090 = arith.constant 0 : i64
        %get3A_1091 = arith.index_cast %get3A_1089 : i64 to index
        %get3A_1092 = arith.index_cast %get3A_1090 : i64 to index
        %get3A_1093 = arith.constant 0 : index
        %get3A_1094 = tpu.vector_load %arg5[%get3A_1091, %get3A_1092, %get3A_1093] {strides = array<i32>} : memref<20x2x16xf32, #tpu.memory_space<vmem>>, vector<16xf32>,
        %max3A_1095 = arith.maximumf %broadcast_in_dim3A_1088, %get3A_1094 : vector<16xf32>
        %min3A_1096 = arith.minimumf %min3A_1077, %max3A_1095 : vector<16xf32>
        %get3A_1097 = arith.constant 5 : i64
        %get3A_1098 = arith.constant 1 : i64
        %get3A_1099 = arith.index_cast %get3A_1097 : i64 to index
        %get3A_1100 = arith.index_cast %get3A_1098 : i64 to index
        %get3A_1101 = arith.constant 0 : index
        %get3A_1102 = tpu.vector_load %arg5[%get3A_1099, %get3A_1100, %get3A_1101] {strides = array<i32>} : memref<20x2x16xf32, #tpu.memory_space<vmem>>, vector<16xf32>,
        %max3A_1103 = arith.maximumf %broadcast_in_dim3A_1088, %get3A_1102 : vector<16xf32>
        %min3A_1104 = arith.minimumf %min3A_1085, %max3A_1103 : vector<16xf32>
        %slice3A_1105 = vector.extract_strided_slice %scan3A_990 {offsets = [6], sizes = [1], strides = [1]} : vector<16xf32> to vector<1xf32>
        %squeeze3A_1106 = vector.extract %slice3A_1105[0] : f32 from vector<1xf32>
        %broadcast_in_dim3A_1107 = vector.broadcast %squeeze3A_1106 : f32 to vector<16xf32>
        %get3A_1108 = arith.constant 6 : i64
        %get3A_1109 = arith.constant 0 : i64
        %get3A_1110 = arith.index_cast %get3A_1108 : i64 to index
        %get3A_1111 = arith.index_cast %get3A_1109 : i64 to index
        %get3A_1112 = arith.constant 0 : index
        %get3A_1113 = tpu.vector_load %arg5[%get3A_1110, %get3A_1111, %get3A_1112] {strides = array<i32>} : memref<20x2x16xf32, #tpu.memory_space<vmem>>, vector<16xf32>,
        %max3A_1114 = arith.maximumf %broadcast_in_dim3A_1107, %get3A_1113 : vector<16xf32>
        %min3A_1115 = arith.minimumf %min3A_1096, %max3A_1114 : vector<16xf32>
        %get3A_1116 = arith.constant 6 : i64
        %get3A_1117 = arith.constant 1 : i64
        %get3A_1118 = arith.index_cast %get3A_1116 : i64 to index
        %get3A_1119 = arith.index_cast %get3A_1117 : i64 to index
        %get3A_1120 = arith.constant 0 : index
        %get3A_1121 = tpu.vector_load %arg5[%get3A_1118, %get3A_1119, %get3A_1120] {strides = array<i32>} : memref<20x2x16xf32, #tpu.memory_space<vmem>>, vector<16xf32>,
        %max3A_1122 = arith.maximumf %broadcast_in_dim3A_1107, %get3A_1121 : vector<16xf32>
        %min3A_1123 = arith.minimumf %min3A_1104, %max3A_1122 : vector<16xf32>
        %slice3A_1124 = vector.extract_strided_slice %scan3A_990 {offsets = [7], sizes = [1], strides = [1]} : vector<16xf32> to vector<1xf32>
        %squeeze3A_1125 = vector.extract %slice3A_1124[0] : f32 from vector<1xf32>
        %broadcast_in_dim3A_1126 = vector.broadcast %squeeze3A_1125 : f32 to vector<16xf32>
        %get3A_1127 = arith.constant 7 : i64
        %get3A_1128 = arith.constant 0 : i64
        %get3A_1129 = arith.index_cast %get3A_1127 : i64 to index
        %get3A_1130 = arith.index_cast %get3A_1128 : i64 to index
        %get3A_1131 = arith.constant 0 : index
        %get3A_1132 = tpu.vector_load %arg5[%get3A_1129, %get3A_1130, %get3A_1131] {strides = array<i32>} : memref<20x2x16xf32, #tpu.memory_space<vmem>>, vector<16xf32>,
        %max3A_1133 = arith.maximumf %broadcast_in_dim3A_1126, %get3A_1132 : vector<16xf32>
        %min3A_1134 = arith.minimumf %min3A_1115, %max3A_1133 : vector<16xf32>
        %get3A_1135 = arith.constant 7 : i64
        %get3A_1136 = arith.constant 1 : i64
        %get3A_1137 = arith.index_cast %get3A_1135 : i64 to index
        %get3A_1138 = arith.index_cast %get3A_1136 : i64 to index
        %get3A_1139 = arith.constant 0 : index
        %get3A_1140 = tpu.vector_load %arg5[%get3A_1137, %get3A_1138, %get3A_1139] {strides = array<i32>} : memref<20x2x16xf32, #tpu.memory_space<vmem>>, vector<16xf32>,
        %max3A_1141 = arith.maximumf %broadcast_in_dim3A_1126, %get3A_1140 : vector<16xf32>
        %min3A_1142 = arith.minimumf %min3A_1123, %max3A_1141 : vector<16xf32>
        %slice3A_1143 = vector.extract_strided_slice %scan3A_990 {offsets = [8], sizes = [1], strides = [1]} : vector<16xf32> to vector<1xf32>
        %squeeze3A_1144 = vector.extract %slice3A_1143[0] : f32 from vector<1xf32>
        %broadcast_in_dim3A_1145 = vector.broadcast %squeeze3A_1144 : f32 to vector<16xf32>
        %get3A_1146 = arith.constant 8 : i64
        %get3A_1147 = arith.constant 0 : i64
        %get3A_1148 = arith.index_cast %get3A_1146 : i64 to index
        %get3A_1149 = arith.index_cast %get3A_1147 : i64 to index
        %get3A_1150 = arith.constant 0 : index
        %get3A_1151 = tpu.vector_load %arg5[%get3A_1148, %get3A_1149, %get3A_1150] {strides = array<i32>} : memref<20x2x16xf32, #tpu.memory_space<vmem>>, vector<16xf32>,
        %max3A_1152 = arith.maximumf %broadcast_in_dim3A_1145, %get3A_1151 : vector<16xf32>
        %min3A_1153 = arith.minimumf %min3A_1134, %max3A_1152 : vector<16xf32>
        %get3A_1154 = arith.constant 8 : i64
        %get3A_1155 = arith.constant 1 : i64
        %get3A_1156 = arith.index_cast %get3A_1154 : i64 to index
        %get3A_1157 = arith.index_cast %get3A_1155 : i64 to index
        %get3A_1158 = arith.constant 0 : index
        %get3A_1159 = tpu.vector_load %arg5[%get3A_1156, %get3A_1157, %get3A_1158] {strides = array<i32>} : memref<20x2x16xf32, #tpu.memory_space<vmem>>, vector<16xf32>,
        %max3A_1160 = arith.maximumf %broadcast_in_dim3A_1145, %get3A_1159 : vector<16xf32>
        %min3A_1161 = arith.minimumf %min3A_1142, %max3A_1160 : vector<16xf32>
        %slice3A_1162 = vector.extract_strided_slice %scan3A_990 {offsets = [9], sizes = [1], strides = [1]} : vector<16xf32> to vector<1xf32>
        %squeeze3A_1163 = vector.extract %slice3A_1162[0] : f32 from vector<1xf32>
        %broadcast_in_dim3A_1164 = vector.broadcast %squeeze3A_1163 : f32 to vector<16xf32>
        %get3A_1165 = arith.constant 9 : i64
        %get3A_1166 = arith.constant 0 : i64
        %get3A_1167 = arith.index_cast %get3A_1165 : i64 to index
        %get3A_1168 = arith.index_cast %get3A_1166 : i64 to index
        %get3A_1169 = arith.constant 0 : index
        %get3A_1170 = tpu.vector_load %arg5[%get3A_1167, %get3A_1168, %get3A_1169] {strides = array<i32>} : memref<20x2x16xf32, #tpu.memory_space<vmem>>, vector<16xf32>,
        %max3A_1171 = arith.maximumf %broadcast_in_dim3A_1164, %get3A_1170 : vector<16xf32>
        %min3A_1172 = arith.minimumf %min3A_1153, %max3A_1171 : vector<16xf32>
        %get3A_1173 = arith.constant 9 : i64
        %get3A_1174 = arith.constant 1 : i64
        %get3A_1175 = arith.index_cast %get3A_1173 : i64 to index
        %get3A_1176 = arith.index_cast %get3A_1174 : i64 to index
        %get3A_1177 = arith.constant 0 : index
        %get3A_1178 = tpu.vector_load %arg5[%get3A_1175, %get3A_1176, %get3A_1177] {strides = array<i32>} : memref<20x2x16xf32, #tpu.memory_space<vmem>>, vector<16xf32>,
        %max3A_1179 = arith.maximumf %broadcast_in_dim3A_1164, %get3A_1178 : vector<16xf32>
        %min3A_1180 = arith.minimumf %min3A_1161, %max3A_1179 : vector<16xf32>
        %slice3A_1181 = vector.extract_strided_slice %scan3A_990 {offsets = [10], sizes = [1], strides = [1]} : vector<16xf32> to vector<1xf32>
        %squeeze3A_1182 = vector.extract %slice3A_1181[0] : f32 from vector<1xf32>
        %broadcast_in_dim3A_1183 = vector.broadcast %squeeze3A_1182 : f32 to vector<16xf32>
        %get3A_1184 = arith.constant 10 : i64
        %get3A_1185 = arith.constant 0 : i64
        %get3A_1186 = arith.index_cast %get3A_1184 : i64 to index
        %get3A_1187 = arith.index_cast %get3A_1185 : i64 to index
        %get3A_1188 = arith.constant 0 : index
        %get3A_1189 = tpu.vector_load %arg5[%get3A_1186, %get3A_1187, %get3A_1188] {strides = array<i32>} : memref<20x2x16xf32, #tpu.memory_space<vmem>>, vector<16xf32>,
        %max3A_1190 = arith.maximumf %broadcast_in_dim3A_1183, %get3A_1189 : vector<16xf32>
        %min3A_1191 = arith.minimumf %min3A_1172, %max3A_1190 : vector<16xf32>
        %get3A_1192 = arith.constant 10 : i64
        %get3A_1193 = arith.constant 1 : i64
        %get3A_1194 = arith.index_cast %get3A_1192 : i64 to index
        %get3A_1195 = arith.index_cast %get3A_1193 : i64 to index
        %get3A_1196 = arith.constant 0 : index
        %get3A_1197 = tpu.vector_load %arg5[%get3A_1194, %get3A_1195, %get3A_1196] {strides = array<i32>} : memref<20x2x16xf32, #tpu.memory_space<vmem>>, vector<16xf32>,
        %max3A_1198 = arith.maximumf %broadcast_in_dim3A_1183, %get3A_1197 : vector<16xf32>
        %min3A_1199 = arith.minimumf %min3A_1180, %max3A_1198 : vector<16xf32>
        %slice3A_1200 = vector.extract_strided_slice %scan3A_990 {offsets = [11], sizes = [1], strides = [1]} : vector<16xf32> to vector<1xf32>
        %squeeze3A_1201 = vector.extract %slice3A_1200[0] : f32 from vector<1xf32>
        %broadcast_in_dim3A_1202 = vector.broadcast %squeeze3A_1201 : f32 to vector<16xf32>
        %get3A_1203 = arith.constant 11 : i64
        %get3A_1204 = arith.constant 0 : i64
        %get3A_1205 = arith.index_cast %get3A_1203 : i64 to index
        %get3A_1206 = arith.index_cast %get3A_1204 : i64 to index
        %get3A_1207 = arith.constant 0 : index
        %get3A_1208 = tpu.vector_load %arg5[%get3A_1205, %get3A_1206, %get3A_1207] {strides = array<i32>} : memref<20x2x16xf32, #tpu.memory_space<vmem>>, vector<16xf32>,
        %max3A_1209 = arith.maximumf %broadcast_in_dim3A_1202, %get3A_1208 : vector<16xf32>
        %min3A_1210 = arith.minimumf %min3A_1191, %max3A_1209 : vector<16xf32>
        %get3A_1211 = arith.constant 11 : i64
        %get3A_1212 = arith.constant 1 : i64
        %get3A_1213 = arith.index_cast %get3A_1211 : i64 to index
        %get3A_1214 = arith.index_cast %get3A_1212 : i64 to index
        %get3A_1215 = arith.constant 0 : index
        %get3A_1216 = tpu.vector_load %arg5[%get3A_1213, %get3A_1214, %get3A_1215] {strides = array<i32>} : memref<20x2x16xf32, #tpu.memory_space<vmem>>, vector<16xf32>,
        %max3A_1217 = arith.maximumf %broadcast_in_dim3A_1202, %get3A_1216 : vector<16xf32>
        %min3A_1218 = arith.minimumf %min3A_1199, %max3A_1217 : vector<16xf32>
        %slice3A_1219 = vector.extract_strided_slice %scan3A_990 {offsets = [12], sizes = [1], strides = [1]} : vector<16xf32> to vector<1xf32>
        %squeeze3A_1220 = vector.extract %slice3A_1219[0] : f32 from vector<1xf32>
        %broadcast_in_dim3A_1221 = vector.broadcast %squeeze3A_1220 : f32 to vector<16xf32>
        %get3A_1222 = arith.constant 12 : i64
        %get3A_1223 = arith.constant 0 : i64
        %get3A_1224 = arith.index_cast %get3A_1222 : i64 to index
        %get3A_1225 = arith.index_cast %get3A_1223 : i64 to index
        %get3A_1226 = arith.constant 0 : index
        %get3A_1227 = tpu.vector_load %arg5[%get3A_1224, %get3A_1225, %get3A_1226] {strides = array<i32>} : memref<20x2x16xf32, #tpu.memory_space<vmem>>, vector<16xf32>,
        %max3A_1228 = arith.maximumf %broadcast_in_dim3A_1221, %get3A_1227 : vector<16xf32>
        %min3A_1229 = arith.minimumf %min3A_1210, %max3A_1228 : vector<16xf32>
        %get3A_1230 = arith.constant 12 : i64
        %get3A_1231 = arith.constant 1 : i64
        %get3A_1232 = arith.index_cast %get3A_1230 : i64 to index
        %get3A_1233 = arith.index_cast %get3A_1231 : i64 to index
        %get3A_1234 = arith.constant 0 : index
        %get3A_1235 = tpu.vector_load %arg5[%get3A_1232, %get3A_1233, %get3A_1234] {strides = array<i32>} : memref<20x2x16xf32, #tpu.memory_space<vmem>>, vector<16xf32>,
        %max3A_1236 = arith.maximumf %broadcast_in_dim3A_1221, %get3A_1235 : vector<16xf32>
        %min3A_1237 = arith.minimumf %min3A_1218, %max3A_1236 : vector<16xf32>
        %slice3A_1238 = vector.extract_strided_slice %scan3A_990 {offsets = [13], sizes = [1], strides = [1]} : vector<16xf32> to vector<1xf32>
        %squeeze3A_1239 = vector.extract %slice3A_1238[0] : f32 from vector<1xf32>
        %broadcast_in_dim3A_1240 = vector.broadcast %squeeze3A_1239 : f32 to vector<16xf32>
        %get3A_1241 = arith.constant 13 : i64
        %get3A_1242 = arith.constant 0 : i64
        %get3A_1243 = arith.index_cast %get3A_1241 : i64 to index
        %get3A_1244 = arith.index_cast %get3A_1242 : i64 to index
        %get3A_1245 = arith.constant 0 : index
        %get3A_1246 = tpu.vector_load %arg5[%get3A_1243, %get3A_1244, %get3A_1245] {strides = array<i32>} : memref<20x2x16xf32, #tpu.memory_space<vmem>>, vector<16xf32>,
        %max3A_1247 = arith.maximumf %broadcast_in_dim3A_1240, %get3A_1246 : vector<16xf32>
        %min3A_1248 = arith.minimumf %min3A_1229, %max3A_1247 : vector<16xf32>
        %get3A_1249 = arith.constant 13 : i64
        %get3A_1250 = arith.constant 1 : i64
        %get3A_1251 = arith.index_cast %get3A_1249 : i64 to index
        %get3A_1252 = arith.index_cast %get3A_1250 : i64 to index
        %get3A_1253 = arith.constant 0 : index
        %get3A_1254 = tpu.vector_load %arg5[%get3A_1251, %get3A_1252, %get3A_1253] {strides = array<i32>} : memref<20x2x16xf32, #tpu.memory_space<vmem>>, vector<16xf32>,
        %max3A_1255 = arith.maximumf %broadcast_in_dim3A_1240, %get3A_1254 : vector<16xf32>
        %min3A_1256 = arith.minimumf %min3A_1237, %max3A_1255 : vector<16xf32>
        %slice3A_1257 = vector.extract_strided_slice %scan3A_990 {offsets = [14], sizes = [1], strides = [1]} : vector<16xf32> to vector<1xf32>
        %squeeze3A_1258 = vector.extract %slice3A_1257[0] : f32 from vector<1xf32>
        %broadcast_in_dim3A_1259 = vector.broadcast %squeeze3A_1258 : f32 to vector<16xf32>
        %get3A_1260 = arith.constant 14 : i64
        %get3A_1261 = arith.constant 0 : i64
        %get3A_1262 = arith.index_cast %get3A_1260 : i64 to index
        %get3A_1263 = arith.index_cast %get3A_1261 : i64 to index
        %get3A_1264 = arith.constant 0 : index
        %get3A_1265 = tpu.vector_load %arg5[%get3A_1262, %get3A_1263, %get3A_1264] {strides = array<i32>} : memref<20x2x16xf32, #tpu.memory_space<vmem>>, vector<16xf32>,
        %max3A_1266 = arith.maximumf %broadcast_in_dim3A_1259, %get3A_1265 : vector<16xf32>
        %min3A_1267 = arith.minimumf %min3A_1248, %max3A_1266 : vector<16xf32>
        %get3A_1268 = arith.constant 14 : i64
        %get3A_1269 = arith.constant 1 : i64
        %get3A_1270 = arith.index_cast %get3A_1268 : i64 to index
        %get3A_1271 = arith.index_cast %get3A_1269 : i64 to index
        %get3A_1272 = arith.constant 0 : index
        %get3A_1273 = tpu.vector_load %arg5[%get3A_1270, %get3A_1271, %get3A_1272] {strides = array<i32>} : memref<20x2x16xf32, #tpu.memory_space<vmem>>, vector<16xf32>,
        %max3A_1274 = arith.maximumf %broadcast_in_dim3A_1259, %get3A_1273 : vector<16xf32>
        %min3A_1275 = arith.minimumf %min3A_1256, %max3A_1274 : vector<16xf32>
        %slice3A_1276 = vector.extract_strided_slice %scan3A_990 {offsets = [15], sizes = [1], strides = [1]} : vector<16xf32> to vector<1xf32>
        %squeeze3A_1277 = vector.extract %slice3A_1276[0] : f32 from vector<1xf32>
        %broadcast_in_dim3A_1278 = vector.broadcast %squeeze3A_1277 : f32 to vector<16xf32>
        %get3A_1279 = arith.constant 15 : i64
        %get3A_1280 = arith.constant 0 : i64
        %get3A_1281 = arith.index_cast %get3A_1279 : i64 to index
        %get3A_1282 = arith.index_cast %get3A_1280 : i64 to index
        %get3A_1283 = arith.constant 0 : index
        %get3A_1284 = tpu.vector_load %arg5[%get3A_1281, %get3A_1282, %get3A_1283] {strides = array<i32>} : memref<20x2x16xf32, #tpu.memory_space<vmem>>, vector<16xf32>,
        %max3A_1285 = arith.maximumf %broadcast_in_dim3A_1278, %get3A_1284 : vector<16xf32>
        %min3A_1286 = arith.minimumf %min3A_1267, %max3A_1285 : vector<16xf32>
        %get3A_1287 = arith.constant 15 : i64
        %get3A_1288 = arith.constant 1 : i64
        %get3A_1289 = arith.index_cast %get3A_1287 : i64 to index
        %get3A_1290 = arith.index_cast %get3A_1288 : i64 to index
        %get3A_1291 = arith.constant 0 : index
        %get3A_1292 = tpu.vector_load %arg5[%get3A_1289, %get3A_1290, %get3A_1291] {strides = array<i32>} : memref<20x2x16xf32, #tpu.memory_space<vmem>>, vector<16xf32>,
        %max3A_1293 = arith.maximumf %broadcast_in_dim3A_1278, %get3A_1292 : vector<16xf32>
        %min3A_1294 = arith.minimumf %min3A_1275, %max3A_1293 : vector<16xf32>
        %slice3A_1295 = vector.extract_strided_slice %scan3A_991 {offsets = [0], sizes = [1], strides = [1]} : vector<16xf32> to vector<1xf32>
        %squeeze3A_1296 = vector.extract %slice3A_1295[0] : f32 from vector<1xf32>
        %broadcast_in_dim3A_1297 = vector.broadcast %squeeze3A_1296 : f32 to vector<16xf32>
        %get3A_1298 = arith.constant 16 : i64
        %get3A_1299 = arith.constant 0 : i64
        %get3A_1300 = arith.index_cast %get3A_1298 : i64 to index
        %get3A_1301 = arith.index_cast %get3A_1299 : i64 to index
        %get3A_1302 = arith.constant 0 : index
        %get3A_1303 = tpu.vector_load %arg5[%get3A_1300, %get3A_1301, %get3A_1302] {strides = array<i32>} : memref<20x2x16xf32, #tpu.memory_space<vmem>>, vector<16xf32>,
        %max3A_1304 = arith.maximumf %broadcast_in_dim3A_1297, %get3A_1303 : vector<16xf32>
        %min3A_1305 = arith.minimumf %min3A_1286, %max3A_1304 : vector<16xf32>
        %get3A_1306 = arith.constant 16 : i64
        %get3A_1307 = arith.constant 1 : i64
        %get3A_1308 = arith.index_cast %get3A_1306 : i64 to index
        %get3A_1309 = arith.index_cast %get3A_1307 : i64 to index
        %get3A_1310 = arith.constant 0 : index
        %get3A_1311 = tpu.vector_load %arg5[%get3A_1308, %get3A_1309, %get3A_1310] {strides = array<i32>} : memref<20x2x16xf32, #tpu.memory_space<vmem>>, vector<16xf32>,
        %max3A_1312 = arith.maximumf %broadcast_in_dim3A_1297, %get3A_1311 : vector<16xf32>
        %min3A_1313 = arith.minimumf %min3A_1294, %max3A_1312 : vector<16xf32>
        %slice3A_1314 = vector.extract_strided_slice %scan3A_991 {offsets = [1], sizes = [1], strides = [1]} : vector<16xf32> to vector<1xf32>
        %squeeze3A_1315 = vector.extract %slice3A_1314[0] : f32 from vector<1xf32>
        %broadcast_in_dim3A_1316 = vector.broadcast %squeeze3A_1315 : f32 to vector<16xf32>
        %get3A_1317 = arith.constant 17 : i64
        %get3A_1318 = arith.constant 0 : i64
        %get3A_1319 = arith.index_cast %get3A_1317 : i64 to index
        %get3A_1320 = arith.index_cast %get3A_1318 : i64 to index
        %get3A_1321 = arith.constant 0 : index
        %get3A_1322 = tpu.vector_load %arg5[%get3A_1319, %get3A_1320, %get3A_1321] {strides = array<i32>} : memref<20x2x16xf32, #tpu.memory_space<vmem>>, vector<16xf32>,
        %max3A_1323 = arith.maximumf %broadcast_in_dim3A_1316, %get3A_1322 : vector<16xf32>
        %min3A_1324 = arith.minimumf %min3A_1305, %max3A_1323 : vector<16xf32>
        %get3A_1325 = arith.constant 17 : i64
        %get3A_1326 = arith.constant 1 : i64
        %get3A_1327 = arith.index_cast %get3A_1325 : i64 to index
        %get3A_1328 = arith.index_cast %get3A_1326 : i64 to index
        %get3A_1329 = arith.constant 0 : index
        %get3A_1330 = tpu.vector_load %arg5[%get3A_1327, %get3A_1328, %get3A_1329] {strides = array<i32>} : memref<20x2x16xf32, #tpu.memory_space<vmem>>, vector<16xf32>,
        %max3A_1331 = arith.maximumf %broadcast_in_dim3A_1316, %get3A_1330 : vector<16xf32>
        %min3A_1332 = arith.minimumf %min3A_1313, %max3A_1331 : vector<16xf32>
        %slice3A_1333 = vector.extract_strided_slice %scan3A_991 {offsets = [2], sizes = [1], strides = [1]} : vector<16xf32> to vector<1xf32>
        %squeeze3A_1334 = vector.extract %slice3A_1333[0] : f32 from vector<1xf32>
        %broadcast_in_dim3A_1335 = vector.broadcast %squeeze3A_1334 : f32 to vector<16xf32>
        %get3A_1336 = arith.constant 18 : i64
        %get3A_1337 = arith.constant 0 : i64
        %get3A_1338 = arith.index_cast %get3A_1336 : i64 to index
        %get3A_1339 = arith.index_cast %get3A_1337 : i64 to index
        %get3A_1340 = arith.constant 0 : index
        %get3A_1341 = tpu.vector_load %arg5[%get3A_1338, %get3A_1339, %get3A_1340] {strides = array<i32>} : memref<20x2x16xf32, #tpu.memory_space<vmem>>, vector<16xf32>,
        %max3A_1342 = arith.maximumf %broadcast_in_dim3A_1335, %get3A_1341 : vector<16xf32>
        %min3A_1343 = arith.minimumf %min3A_1324, %max3A_1342 : vector<16xf32>
        %get3A_1344 = arith.constant 18 : i64
        %get3A_1345 = arith.constant 1 : i64
        %get3A_1346 = arith.index_cast %get3A_1344 : i64 to index
        %get3A_1347 = arith.index_cast %get3A_1345 : i64 to index
        %get3A_1348 = arith.constant 0 : index
        %get3A_1349 = tpu.vector_load %arg5[%get3A_1346, %get3A_1347, %get3A_1348] {strides = array<i32>} : memref<20x2x16xf32, #tpu.memory_space<vmem>>, vector<16xf32>,
        %max3A_1350 = arith.maximumf %broadcast_in_dim3A_1335, %get3A_1349 : vector<16xf32>
        %min3A_1351 = arith.minimumf %min3A_1332, %max3A_1350 : vector<16xf32>
        %slice3A_1352 = vector.extract_strided_slice %scan3A_991 {offsets = [3], sizes = [1], strides = [1]} : vector<16xf32> to vector<1xf32>
        %squeeze3A_1353 = vector.extract %slice3A_1352[0] : f32 from vector<1xf32>
        %broadcast_in_dim3A_1354 = vector.broadcast %squeeze3A_1353 : f32 to vector<16xf32>
        %get3A_1355 = arith.constant 19 : i64
        %get3A_1356 = arith.constant 0 : i64
        %get3A_1357 = arith.index_cast %get3A_1355 : i64 to index
        %get3A_1358 = arith.index_cast %get3A_1356 : i64 to index
        %get3A_1359 = arith.constant 0 : index
        %get3A_1360 = tpu.vector_load %arg5[%get3A_1357, %get3A_1358, %get3A_1359] {strides = array<i32>} : memref<20x2x16xf32, #tpu.memory_space<vmem>>, vector<16xf32>,
        %max3A_1361 = arith.maximumf %broadcast_in_dim3A_1354, %get3A_1360 : vector<16xf32>
        %min3A_1362 = arith.minimumf %min3A_1343, %max3A_1361 : vector<16xf32>
        %get3A_1363 = arith.constant 19 : i64
        %get3A_1364 = arith.constant 1 : i64
        %get3A_1365 = arith.index_cast %get3A_1363 : i64 to index
        %get3A_1366 = arith.index_cast %get3A_1364 : i64 to index
        %get3A_1367 = arith.constant 0 : index
        %get3A_1368 = tpu.vector_load %arg5[%get3A_1365, %get3A_1366, %get3A_1367] {strides = array<i32>} : memref<20x2x16xf32, #tpu.memory_space<vmem>>, vector<16xf32>,
        %max3A_1369 = arith.maximumf %broadcast_in_dim3A_1354, %get3A_1368 : vector<16xf32>
        %min3A_1370 = arith.minimumf %min3A_1351, %max3A_1369 : vector<16xf32>
        scf.yield %min3A_1362, %min3A_1370 : vector<16xf32>, vector<16xf32>
      }
      %scan3A_911 = arith.constant 19 : i32
      %max3A = arith.maximumf %scan3A_910#0, %add3A_900 : vector<16xf32>
      %max3A_912 = arith.maximumf %scan3A_910#1, %select_n3A_906 : vector<16xf32>
      %min3A_913 = arith.minimumf %max3A, %max3A_912 : vector<16xf32>
      %slice3A_914 = vector.extract_strided_slice %min3A_913 {offsets = [0], sizes = [1], strides = [1]} : vector<16xf32> to vector<1xf32>
      %squeeze3A_915 = vector.extract %slice3A_914[0] : f32 from vector<1xf32>
      %slice3A_916 = vector.extract_strided_slice %min3A_913 {offsets = [1], sizes = [1], strides = [1]} : vector<16xf32> to vector<1xf32>
      %squeeze3A_917 = vector.extract %slice3A_916[0] : f32 from vector<1xf32>
      %slice3A_918 = vector.extract_strided_slice %min3A_913 {offsets = [2], sizes = [1], strides = [1]} : vector<16xf32> to vector<1xf32>
      %squeeze3A_919 = vector.extract %slice3A_918[0] : f32 from vector<1xf32>
      %slice3A_920 = vector.extract_strided_slice %min3A_913 {offsets = [3], sizes = [1], strides = [1]} : vector<16xf32> to vector<1xf32>
      %squeeze3A_921 = vector.extract %slice3A_920[0] : f32 from vector<1xf32>
      %slice3A_922 = vector.extract_strided_slice %min3A_913 {offsets = [4], sizes = [1], strides = [1]} : vector<16xf32> to vector<1xf32>
      %squeeze3A_923 = vector.extract %slice3A_922[0] : f32 from vector<1xf32>
      %slice3A_924 = vector.extract_strided_slice %min3A_913 {offsets = [5], sizes = [1], strides = [1]} : vector<16xf32> to vector<1xf32>
      %squeeze3A_925 = vector.extract %slice3A_924[0] : f32 from vector<1xf32>
      %slice3A_926 = vector.extract_strided_slice %min3A_913 {offsets = [6], sizes = [1], strides = [1]} : vector<16xf32> to vector<1xf32>
      %squeeze3A_927 = vector.extract %slice3A_926[0] : f32 from vector<1xf32>
      %slice3A_928 = vector.extract_strided_slice %min3A_913 {offsets = [7], sizes = [1], strides = [1]} : vector<16xf32> to vector<1xf32>
      %squeeze3A_929 = vector.extract %slice3A_928[0] : f32 from vector<1xf32>
      %slice3A_930 = vector.extract_strided_slice %min3A_913 {offsets = [8], sizes = [1], strides = [1]} : vector<16xf32> to vector<1xf32>
      %squeeze3A_931 = vector.extract %slice3A_930[0] : f32 from vector<1xf32>
      %slice3A_932 = vector.extract_strided_slice %min3A_913 {offsets = [9], sizes = [1], strides = [1]} : vector<16xf32> to vector<1xf32>
      %squeeze3A_933 = vector.extract %slice3A_932[0] : f32 from vector<1xf32>
      %slice3A_934 = vector.extract_strided_slice %min3A_913 {offsets = [10], sizes = [1], strides = [1]} : vector<16xf32> to vector<1xf32>
      %squeeze3A_935 = vector.extract %slice3A_934[0] : f32 from vector<1xf32>
      %slice3A_936 = vector.extract_strided_slice %min3A_913 {offsets = [11], sizes = [1], strides = [1]} : vector<16xf32> to vector<1xf32>
      %squeeze3A_937 = vector.extract %slice3A_936[0] : f32 from vector<1xf32>
      %slice3A_938 = vector.extract_strided_slice %min3A_913 {offsets = [12], sizes = [1], strides = [1]} : vector<16xf32> to vector<1xf32>
      %squeeze3A_939 = vector.extract %slice3A_938[0] : f32 from vector<1xf32>
      %slice3A_940 = vector.extract_strided_slice %min3A_913 {offsets = [13], sizes = [1], strides = [1]} : vector<16xf32> to vector<1xf32>
      %squeeze3A_941 = vector.extract %slice3A_940[0] : f32 from vector<1xf32>
      %slice3A_942 = vector.extract_strided_slice %min3A_913 {offsets = [14], sizes = [1], strides = [1]} : vector<16xf32> to vector<1xf32>
      %squeeze3A_943 = vector.extract %slice3A_942[0] : f32 from vector<1xf32>
      %slice3A_944 = vector.extract_strided_slice %min3A_913 {offsets = [15], sizes = [1], strides = [1]} : vector<16xf32> to vector<1xf32>
      %squeeze3A_945 = vector.extract %slice3A_944[0] : f32 from vector<1xf32>
      %min3A_946 = arith.minimumf %squeeze3A_915, %squeeze3A_917 : f32
      %min3A_947 = arith.minimumf %squeeze3A_919, %squeeze3A_921 : f32
      %min3A_948 = arith.minimumf %squeeze3A_923, %squeeze3A_925 : f32
      %min3A_949 = arith.minimumf %squeeze3A_927, %squeeze3A_929 : f32
      %min3A_950 = arith.minimumf %squeeze3A_931, %squeeze3A_933 : f32
      %min3A_951 = arith.minimumf %squeeze3A_935, %squeeze3A_937 : f32
      %min3A_952 = arith.minimumf %squeeze3A_939, %squeeze3A_941 : f32
      %min3A_953 = arith.minimumf %squeeze3A_943, %squeeze3A_945 : f32
      %min3A_954 = arith.minimumf %min3A_946, %min3A_947 : f32
      %min3A_955 = arith.minimumf %min3A_948, %min3A_949 : f32
      %min3A_956 = arith.minimumf %min3A_950, %min3A_951 : f32
      %min3A_957 = arith.minimumf %min3A_952, %min3A_953 : f32
      %min3A_958 = arith.minimumf %min3A_954, %min3A_955 : f32
      %min3A_959 = arith.minimumf %min3A_956, %min3A_957 : f32
      %min3A_960 = arith.minimumf %min3A_958, %min3A_959 : f32
      %broadcast_in_dim3A_961 = vector.broadcast %min3A_960 : f32 to vector<16xf32>
      %bitcast_convert_type3A = tpu.bitcast %broadcast_in_dim3A_961 : vector<16xf32> -> vector<16xi32>
      %shift_right_arithmetic3A = arith.constant 1 : i32
      %shift_right_arithmetic3A_962 = vector.broadcast %shift_right_arithmetic3A : i32 to vector<16xi32>
      %shift_right_arithmetic3A_963 = arith.shrsi %bitcast_convert_type3A, %shift_right_arithmetic3A_962 : vector<16xi32>
      %add3A_964 = arith.constant 532487669 : i32
      %add3A_965 = vector.broadcast %add3A_964 : i32 to vector<16xi32>
      %add3A_966 = arith.addi %shift_right_arithmetic3A_963, %add3A_965 : vector<16xi32>
      %bitcast_convert_type3A_967 = tpu.bitcast %add3A_966 : vector<16xi32> -> vector<16xf32>
      %div3A = arith.divf %broadcast_in_dim3A_961, %bitcast_convert_type3A_967 : vector<16xf32>
      %add3A_968 = arith.addf %bitcast_convert_type3A_967, %div3A : vector<16xf32>
      %mul3A_969 = arith.constant 5.000000e-01 : f32
      %mul3A_970 = vector.broadcast %mul3A_969 : f32 to vector<16xf32>
      %mul3A_971 = arith.mulf %mul3A_970, %add3A_968 : vector<16xf32>
      %div3A_972 = arith.divf %broadcast_in_dim3A_961, %mul3A_971 : vector<16xf32>
      %add3A_973 = arith.addf %mul3A_971, %div3A_972 : vector<16xf32>
      %mul3A_974 = arith.constant 5.000000e-01 : f32
      %mul3A_975 = vector.broadcast %mul3A_974 : f32 to vector<16xf32>
      %mul3A_976 = arith.mulf %mul3A_975, %add3A_973 : vector<16xf32>
      %div3A_977 = arith.divf %broadcast_in_dim3A_961, %mul3A_976 : vector<16xf32>
      %add3A_978 = arith.addf %mul3A_976, %div3A_977 : vector<16xf32>
      %mul3A_979 = arith.constant 5.000000e-01 : f32
      %mul3A_980 = vector.broadcast %mul3A_979 : f32 to vector<16xf32>
      %mul3A_981 = arith.mulf %mul3A_980, %add3A_978 : vector<16xf32>
      %div3A_982 = arith.divf %broadcast_in_dim3A_961, %mul3A_981 : vector<16xf32>
      %add3A_983 = arith.addf %mul3A_981, %div3A_982 : vector<16xf32>
      %mul3A_984 = arith.constant 5.000000e-01 : f32
      %mul3A_985 = vector.broadcast %mul3A_984 : f32 to vector<16xf32>
      %mul3A_986 = arith.mulf %mul3A_985, %add3A_983 : vector<16xf32>
      %swap3A_987 = arith.constant 0 : index
      %swap3A_988 = tpu.vector_load %arg6[%swap3A_987] {strides = array<i32>} : memref<16xf32, #tpu.memory_space<vmem>>, vector<16xf32>,
      tpu.vector_store %arg6[%swap3A_987], %mul3A_986 {strides = array<i32>} : memref<16xf32, #tpu.memory_space<vmem>>, vector<16xf32>,
      "tpu.region"() ({
        %run_scoped3A = tpu.sem_alloc : memref<!tpu.dma_semaphore, #tpu.memory_space<semaphore_mem>>
        %dma_start3A = arith.constant 0 : i32
        %dma_start3A_989 = tpu.memref_slice %arg3[%arg1, %dma_start3A] : memref<8x16xf32, #tpu.memory_space<hbm>> -> memref<1x16xf32, #tpu.memory_space<hbm>>
        %dma_start3A_990 = tpu.memref_squeeze %dma_start3A_989 : memref<1x16xf32, #tpu.memory_space<hbm>> -> memref<16xf32, #tpu.memory_space<hbm>>
        %dma_start3A_991 = arith.constant 0 : i32
        %dma_start3A_992 = tpu.memref_slice %arg3[%arg1, %dma_start3A_991] : memref<8x16xf32, #tpu.memory_space<hbm>> -> memref<1x16xf32, #tpu.memory_space<hbm>>
        %dma_start3A_993 = tpu.memref_squeeze %dma_start3A_992 : memref<1x16xf32, #tpu.memory_space<hbm>> -> memref<16xf32, #tpu.memory_space<hbm>>
        tpu.enqueue_dma source(%arg6 : memref<16xf32, #tpu.memory_space<vmem>>) target(%dma_start3A_993 : memref<16xf32, #tpu.memory_space<hbm>>) target_semaphore(%run_scoped3A : memref<!tpu.dma_semaphore, #tpu.memory_space<semaphore_mem>>)
        %dma_wait3A = arith.constant 0 : i32
        %dma_wait3A_994 = tpu.memref_slice %arg3[%arg1, %dma_wait3A] : memref<8x16xf32, #tpu.memory_space<hbm>> -> memref<1x16xf32, #tpu.memory_space<hbm>>
        %dma_wait3A_995 = tpu.memref_squeeze %dma_wait3A_994 : memref<1x16xf32, #tpu.memory_space<hbm>> -> memref<16xf32, #tpu.memory_space<hbm>>
        %dma_wait3A_996 = arith.constant 0 : i32
        %dma_wait3A_997 = tpu.memref_slice %arg3[%arg1, %dma_wait3A_996] : memref<8x16xf32, #tpu.memory_space<hbm>> -> memref<1x16xf32, #tpu.memory_space<hbm>>
        %dma_wait3A_998 = tpu.memref_squeeze %dma_wait3A_997 : memref<1x16xf32, #tpu.memory_space<hbm>> -> memref<16xf32, #tpu.memory_space<hbm>>
        tpu.wait_dma2 semaphore(%run_scoped3A : memref<!tpu.dma_semaphore, #tpu.memory_space<semaphore_mem>>) src(%arg6 : memref<16xf32, #tpu.memory_space<vmem>>) dst(%dma_wait3A_998 : memref<16xf32, #tpu.memory_space<hbm>>)
        tpu.yield
      }) : () -> ()
    } else {
    }
    return
  }
}

module attributes {stable_mosaic.version = 14 : i64} {
  func.func @_mean_tc(%arg0: memref<8x16xf32, #tpu.memory_space<vmem>>, %arg1: memref<1x1xf32, #tpu.memory_space<vmem>>) attributes {dimension_semantics = [], scalar_prefetch = 0 : i64, scratch_operands = 0 : i64, tpu.core_type = #tpu.core_type<tc>} {
    %get3A = arith.constant 0 : index
    %get3A_0 = arith.constant 0 : index
    %get3A_1 = vector.load %arg0[%get3A, %get3A_0] : memref<8x16xf32, #tpu.memory_space<vmem>>, vector<8x16xf32>
    %reduce_sum3A = vector.shape_cast %get3A_1 : vector<8x16xf32> to vector<1x8x16xf32>
    %reduce_sum3A_2 = arith.constant dense<0.000000e+00> : vector<1xf32>
    %reduce_sum3A_3 = vector.multi_reduction <add>, %reduce_sum3A, %reduce_sum3A_2 [1, 2] : vector<1x8x16xf32> to vector<1xf32>
    %reduce_sum3A_4 = vector.shape_cast %reduce_sum3A_3 : vector<1xf32> to vector<1x1x1xf32>
    %reduce_sum3A_5 = vector.extract %reduce_sum3A_4[0, 0, 0] : f32 from vector<1x1x1xf32>
    %broadcast_in_dim3A = vector.broadcast %reduce_sum3A_5 : f32 to vector<1x1xf32>
    %mul3A = arith.constant 7.812500e-03 : f32
    %mul3A_6 = vector.broadcast %mul3A : f32 to vector<1x1xf32>
    %mul3A_7 = arith.mulf %broadcast_in_dim3A, %mul3A_6 : vector<1x1xf32>
    %swap3A = arith.constant 0 : index
    %swap3A_8 = arith.constant 0 : index
    %swap3A_9 = vector.load %arg1[%swap3A, %swap3A_8] : memref<1x1xf32, #tpu.memory_space<vmem>>, vector<1x1xf32>
    tpu.vector_store %arg1[%swap3A, %swap3A_8], %mul3A_7 {strides = array<i32>} : memref<1x1xf32, #tpu.memory_space<vmem>>, vector<1x1xf32>,
    return
  }
}

</mosaic_0001>

<sc_bundles>
// kernel: kernel.4.cloned.1.call-start
scs
__scs_entry_jumppad:
0x0: {  	(pc) =	sbr.rel $0x88, $3  }
0x1: {  	(tag) =	ssettag $0x0;
	lr =	simm.s32 $0x1  }
0x2: {  	[smem:$0x3FA0] =	sst lr;
	_ =	strace $0xD0000000  }
0x3: {  	_ = 	snop  }
0x4: {  	_ = 	snop  }
0x5: {  	_ = 	snop  }
0x6: {  	_ = 	snop  }
0x7: {  	_ = 	snop  }
__scs_overlays_trampoline_lowered:
0x8: {  	[smem:$0x3FAF] =	sst s0  }
0x9: {  	[smem:$0x3FB0] =	sst s1  }
0xa: {  	[smem:$0x3FB1] =	sst s2  }
0xb: {  	[smem:$0x3FB2] =	sst s3  }
0xc: {  	[smem:$0x3FB3] =	sst s4  }
0xd: {  	[smem:$0x3FB4] =	sst s5  }
0xe: {  	[smem:$0x3FB5] =	sst s6  }
0xf: {  	[smem:$0x3FB6] =	sst s7  }
0x10: {  	[smem:$0x3FB7] =	sst s8  }
0x11: {  	[smem:$0x3FB8] =	sst s9;
	s0 =	simm.s32 @!p0 $0x0  }
0x12: {  	s1 =	sld [smem:$0x3F9E];
	s0 =	simm.s32 @p0 $0x1  }
0x13: {  	[smem:$0x3FB9] =	sst s0;
	s0 =	simm.s32 @!p1 $0x0  }
0x14: {  	s2 =	sld [smem:$0x3F9D];
	s0 =	simm.s32 @p1 $0x1  }
0x15: {  	[smem:$0x3FBA] =	sst s0;
	s0 =	simm.s32 @!p2 $0x0  }
0x16: {  	s3 =	sld [smem:$0x3FDB];
	s0 =	simm.s32 @p2 $0x1  }
0x17: {  	s4 =	simm.s32 $0x1BF5;
	[smem:$0x3FBC] =	sst s0  }
0x18: {  	s0 =	sld [smem:$0x3F9F];
	_ =	swait.ge [sflag:s4], $0x0  }
0x19: {  	s7 =	sld [smem:$0x3FA0]  }
0x1a: {  	s8 =	sadd.s32 $0xFFFFE003, lr  }
0x1b: {  	s9 =	sadd.s32 $0xFFFFFEF7, lr;
	s5 =	simm.s32 $0xFFFFFFFF;
	p2 =	slt.u32 s8, $0xFFFFF086  }
0x1c: {  	p1 =	slt.u32 s9, $0xF7A;
	s5 =	simm.s32 @!p2 $0x0  }
0x1d: {  	s5 =	simm.s32 @p1 $0x1;
	p0 =	seq.s32 s7, s2  }
0x1e: {  	s7 =	smul.u32 @!p0 $0xF7A, s2;
	p2 =	seq.s32 @!p0 s5, $0x0  }
0x1f: {  	s9 =	smul.u32 $0xF7A, s1;
	s8 =	simm.s32 @!p0 $0x1BF5;
	p2 =	por !p2, p0  }
0x20: {  	[sflag:s8] =	ssyncset.s32 @!p0 $0xFFFFF086;
	s6 =	sadd.s32 @!p0 s3, s7;
	s7 =	simm.s32 @!p0 $0x108  }
0x21: {  	s3 =	sadd.s32 s3, s9;
	s6 =	sadd.s32 @!p0 $0x88, s6;
	s7 =	simm.s32 @p2 $0x1082  }
0x22: {  	[simem:s7], [sflag:s8] =	dma.local @!p0 [hbm:s6], $0xF7A  }
0x23: {  	s9 =	sor.u32 $0xD0000000, s2;
	s6 =	simm.s32 $0x108;
	_ =	swait.ge @!p0 [sflag:s8], $0x0  }
0x24: {  	s3 =	sadd.s32 $0x88, s3;
	s6 =	simm.s32 @!p1 $0x1082;
	[sflag:s4] =	ssyncset.s32 $0xFFFFF086  }
0x25: {  	[simem:s6], [sflag:s4] =	dma.local [hbm:s3], $0xF7A  }
0x26: {  	[smem:$0x3FA0] =	sst s1;
	(tag) =	ssettag s2;
	_ =	strace s9  }
0x27: {  	s1 =	sld [smem:$0x3FB0]  }
0x28: {  	s2 =	sld [smem:$0x3FB1]  }
0x29: {  	s4 =	sld [smem:$0x3FB3]  }
0x2a: {  	p0 =	seq.s32 s5, $0x0;
	s5 =	sld [smem:$0x3FB4]  }
0x2b: {  	s6 =	sld [smem:$0x3FB5]  }
0x2c: {  	s7 =	sld [smem:$0x3FB6]  }
0x2d: {  	s3 =	simm.s32 $0x108;
	s8 =	sld [smem:$0x3FB7]  }
0x2e: {  	s3 =	simm.s32 @!p0 $0x1082;
	s9 =	sld [smem:$0x3FB8]  }
0x2f: {  	lr =	sadd.s32 s0, s3;
	s0 =	sld [smem:$0x3FAF]  }
0x30: {  	s3 =	sld [smem:$0x3FB2]  }
0x31: {  	[smem:$0x3FBB] =	sst s10  }
0x32: {  	s10 =	sld [smem:$0x3FB9];
	_ =	sdelay $0x3  }
0x33: {  	p0 =	seq.s32 s10, $0x1;
	s10 =	sld [smem:$0x3FBB];
	_ =	sdelay $0x3  }
0x34: {  	[smem:$0x3FBB] =	sst s10  }
0x35: {  	s10 =	sld [smem:$0x3FBA];
	_ =	sdelay $0x3  }
0x36: {  	p1 =	seq.s32 s10, $0x1;
	s10 =	sld [smem:$0x3FBB];
	_ =	sdelay $0x3  }
0x37: {  	[smem:$0x3FBB] =	sst s10  }
0x38: {  	s10 =	sld [smem:$0x3FBC]  }
0x39: {  	_ = 	snop;
	(pc) =	sbr.ind lr, $3  }
0x3a: {  	_ = 	snop  }
0x3b: {  	_ = 	snop  }
0x3c: {  	p2 =	seq.s32 s10, $0x1;
	s10 =	sld [smem:$0x3FBB]  }
0x3d: {  	_ =	shalt  }
0x3e: {  	_ =	shalt  }
0x3f: {  	_ =	shalt  }
0x40: {  	_ =	shalt  }
0x41: {  	_ =	shalt  }
0x42: {  	_ =	shalt  }
0x43: {  	_ =	shalt  }
0x44: {  	_ =	shalt  }
0x45: {  	_ =	shalt  }
0x46: {  	_ =	shalt  }
0x47: {  	_ =	shalt  }
0x48: {  	_ =	shalt  }
0x49: {  	_ =	shalt  }
0x4a: {  	_ =	shalt  }
0x4b: {  	_ =	shalt  }
0x4c: {  	_ =	shalt  }
0x4d: {  	_ =	shalt  }
0x4e: {  	_ =	shalt  }
0x4f: {  	_ =	shalt  }
0x50: {  	_ =	shalt  }
0x51: {  	_ =	shalt  }
0x52: {  	_ =	shalt  }
0x53: {  	_ =	shalt  }
0x54: {  	_ =	shalt  }
0x55: {  	_ =	shalt  }
0x56: {  	_ =	shalt  }
0x57: {  	_ =	shalt  }
0x58: {  	_ =	shalt  }
0x59: {  	_ =	shalt  }
0x5a: {  	_ =	shalt  }
0x5b: {  	_ =	shalt  }
0x5c: {  	_ =	shalt  }
0x5d: {  	_ =	shalt  }
0x5e: {  	_ =	shalt  }
0x5f: {  	_ =	shalt  }
0x60: {  	_ =	shalt  }
0x61: {  	_ =	shalt  }
0x62: {  	_ =	shalt  }
0x63: {  	_ =	shalt  }
0x64: {  	_ =	shalt  }
0x65: {  	_ =	shalt  }
0x66: {  	_ =	shalt  }
0x67: {  	_ =	shalt  }
0x68: {  	_ =	shalt  }
0x69: {  	_ =	shalt  }
0x6a: {  	_ =	shalt  }
0x6b: {  	_ =	shalt  }
0x6c: {  	_ =	shalt  }
0x6d: {  	_ =	shalt  }
0x6e: {  	_ =	shalt  }
0x6f: {  	_ =	shalt  }
0x70: {  	_ =	shalt  }
0x71: {  	_ =	shalt  }
0x72: {  	_ =	shalt  }
0x73: {  	_ =	shalt  }
0x74: {  	_ =	shalt  }
0x75: {  	_ =	shalt  }
0x76: {  	_ =	shalt  }
0x77: {  	_ =	shalt  }
0x78: {  	_ =	shalt  }
0x79: {  	_ =	shalt  }
0x7a: {  	_ =	shalt  }
0x7b: {  	_ =	shalt  }
0x7c: {  	_ =	shalt  }
0x7d: {  	_ =	shalt  }
0x7e: {  	_ =	shalt  }
0x7f: {  	_ =	shalt  }
0x80: {  	_ =	shalt  }
0x81: {  	_ =	shalt  }
0x82: {  	_ =	shalt  }
0x83: {  	_ =	shalt  }
0x84: {  	_ =	shalt  }
0x85: {  	_ =	shalt  }
0x86: {  	_ =	shalt  }
0x87: {  	_ =	shalt  }
.Lfunc_end0:
.L_simem_size_0:
called_computation_lowered:
.L_overlay_start_0:
0x88: {  	s0 =	sld [smem:$0x3FD9]  }
0x89: {  	s1 =	sld [smem:$0x3FFE];
	_ =	sdelay $0x3  }
0x8a: {  	s0 =	sadd.s32 s1, s0  }
0x8b: {  	[smem:$0x3FC7] =	sst s0  }
0x8c: {  	_ = 	snop  }
0x8d: {  	(tm) =	ssettm $0x1  }
0x8e: {  	s15 =	sld [smem:$0x3FFB];
	_ =	sdelay $0x3  }
0x8f: {  	_ =	strace s15  }
0x90: {  	s0 =	sld [smem:$0x3FFC];
	_ =	sdelay $0x3  }
0x91: {  	_ =	strace s0  }
0x92: {  	s0 =	sld [smem:$0x3FFD];
	_ =	sdelay $0x3  }
0x93: {  	_ =	strace s0  }
0x94: {  	_ =	strace $0x8FFFFFFF  }
0x95: {  	s16 =	sld [smem:$0x3FDB];
	_ =	sdelay $0x1  }
0x96: {  	s17 =	simm.s32 $_scs_section_size  }
0x97: {  	s2 =	simm.s32 $_size__tile_overlayer_lowered;
	s3 =	simm.s32 $_tile_overlayer_lowered  }
0x98: {  	s20 =	simm.s32 $0x1BFF;
	s19 =	sshll.u32 s3, $0x1;
	s0 =	sadd.s32 s17, s16  }
0x99: {  	s4 =	simm.s32 $0x0;
	s18 =	sshll.u32 s2, $0x1;
	s2 =	sadd.s32 s19, s0  }
0x9a: {  	[timem:s4], [sflag:s20] =	dma.local [hbm:s2], s18  }
0x9b: {  	_ =	swait.ge [sflag:s20], s18  }
0x9c: {  	s1 =	ssub.s32 $0x0, s18;
	[sflag:s20] =	ssyncset.done $0x0  }
0x9d: {  	[sflag:s20] =	ssyncadd.s32 s1;
	_ =	sdelay $0x1  }
0x9e: {  	s21 =	simm.s32 $0x1B8B  }
0x9f: {  	_ =	swait.ge [sflag:s21], $0x1  }
0xa0: {  	[sflag:s21] =	ssyncset.done $0x0  }
0xa1: {  	s23 =	simm.s32 $0x1B8E;
	s22 =	sld [smem:$0x3FFE];
	[sflag:s21] =	ssyncadd.s32 $0xFFFFFFFF  }
0xa2: {  	s24 =	simm.s32 $execute0_lowered;
	[smem:$0x3FD2] =	sst s23  }
0xa3: {  	s2 =	sshll.u32 s24, $0x1;
	_ =	strace $0x80000046;
	[dreg:$0x1] =	wrdreg $0xFFFFFFFF  }
0xa4: {  	s25 =	simm.s32 $_size_execute0_lowered;
	s0 =	sadd.s32 s0, s2;
	[dreg:$0x0] =	wrdreg $0x0  }
0xa5: {  	s2 =	sshll.u32 s25, $0x1;
	[dreg:$0x2] =	wrdreg s0  }
0xa6: {  	[dreg:$0x3] =	wrdreg s2  }
0xa7: {  	[dreg:$0x4] =	wrdreg $0xC0  }
0xa8: {  	_ =	task [dreg:s4], $0x5FFFF  }
0xa9: {  	[dreg:$0x1] =	wrdreg $0xFFFFFFFF  }
0xaa: {  	[dreg:$0x0] =	wrdreg $0x60  }
0xab: {  	[dreg:$0x2] =	wrdreg s22  }
0xac: {  	[dreg:$0x3] =	wrdreg $0x9  }
0xad: {  	_ =	task.clear_ibuf [dreg:s4], $0x4FFFF;
	_ =	strace $0x90000046  }
0xae: {  	s26 =	simm.s32 $0x9;
	_ =	strace $0x80000048  }
0xaf: {  	_ =	swait.ge [sflag:s26], $0x1  }
0xb0: {  	[sflag:s26] =	ssyncadd.s32 $0xFFFFFFFF  }
0xb1: {  	_ =	strace $0x90000048  }
0xb2: {  	_ =	sfence  }
0xb3: {  	s28 =	sld [smem:$0x0];
	_ =	sdelay $0x1  }
0xb4: {  	s29 =	srdreg.scid  }
0xb5: {  	s30 =	sshll.u32 s29, $0xD;
	s31 =	sshrl.u32 s29, $0x2  }
0xb6: {  	s1 =	sand.u32 $0x1, s29;
	s2 =	sand.u32 $0x4000, s30;
	s0 =	sadd.s32 s31, s28  }
0xb7: {  	s1 =	sor.u32 s2, s1;
	s0 =	sshll.u32 s0, $0x11  }
0xb8: {  	s0 =	sor.u32 s0, s1  }
0xb9: {  	s0 =	sadd.s32 $0x8F2B, s0  }
0xba: {  	[sflag:s0] =	ssyncadd.remote.s32 $0x1  }
0xbb: {  	_ =	sfence.sel $0xFFFF  }
0xbc: {  	[dreg:$0x0] =	wrdreg $0xFFFFFFFF;
	(pc) =	sbr.abs _section_cstart, $3  }
0xbd: {  	[dreg:$0x1] =	wrdreg $0xFFFFFFFF  }
0xbe: {  	_ =	task.clear_ibuf [dreg:s4], $0x2FFFF;
	_ =	strace $0x9FFFFFFF  }
0xbf: {  	(tm) =	ssettm $0x7FFFFFFF  }
tec
execute0_lowered:
.L_overlay_start_1:
0x0: {  	(tag) =	ssettag $0x1  }
0x1: {  	s1 =	stileid.u32  }
0x2: {  	p0 =	sgt.u32 s1, $0x7  }
.Ltmp0:
0x3: {  	_ = 	snop;
	(pc) =	sbr.rel @p0 .LBB2_4-.Ltmp0, $4  }
0x4: {  	_ = 	snop  }
0x5: {  	s3 =	rddreg [dreg:$0x0];
	s2 =	simm.s32 $0x0  }
0x6: {  	[smem:$0x7FF] =	sst s2  }
0x7: {  	s0 =	rddreg [dreg:$0x1];
	_ =	strace $0x80000047  }
0x8: {  	v0 =	vlaneseq.u32  }
0x9: {  	v0 =	vmul.u32 $0x80, v0;
	_ =	sdelay $0x1  }
0xa: {  	s4 =	sadd.s32 $0x600, s3;
	s28 =	simm.s32 $0x1;
	v1 =	vor.u32 $0x800, v0  }
0xb: {  	[tilespmem:s2], [sflag:$0x1] =	stream.linear.gather [hbm4b:s4+s2], $0x1200, $0x38;
	v3 =	vor.u32 $0x801, v0;
	[tilespmem:$0x2880] =	vst v63  }
0xc: {  	v2 =	vimm.s32 $0x1180;
	vm0 =	vcmask $0x300;
	_ =	swait.ge [sflag:s28], $0x1200;
	v4 =	vor.u32 $0x802, v0  }
0xd: {  	vm1 =	vcmask $0x704;
	v57 =	vimm.s32 $0x1181;
	v2 =	vsel vm0, $0x1000, v2;
	[sflag:s28] =	ssyncset.done $0x0  }
0xe: {  	v56 =	vsel vm1, $0x1080, v2;
	v2 =	vsel vm0, $0x1001, v57;
	[sflag:s28] =	ssyncadd.s32 $0xFFFFEE00  }
0xf: {  	vm2 =	vcmask $0xB08;
	v5 =	vimm.s32 $0x1182;
	v2 =	vsel vm1, $0x1081, v2;
	v0 =	vld.idx.msk [tilespmem:v1+s2+$0x0], $0xffff  }
0x10: {  	v5 =	vsel vm0, $0x1002, v5;
	v7 =	vsel vm2, $0x1101, v2;
	v2 =	vld.idx.msk [tilespmem:v3+s2+$0x0], $0xffff  }
0x11: {  	v58 =	vsel vm1, $0x1082, v5;
	v6 =	vsel vm2, $0x1100, v56;
	v1 =	vld.idx.msk [tilespmem:v4+s2+$0x0], $0xffff  }
0x12: {  	v59 =	vsel vm2, $0x1102, v58;
	_ =	sdelay $0x2  }
0x13: {  	v60 =	vbroadcast v0, $0x0;
	v61 =	vbroadcast v2, $0x0  }
0x14: {  	v4 =	vld.idx.msk [tilespmem:v6+s2+$0x0], $0xffff;
	v8 =	vbroadcast v1, $0x0;
	v12 =	vbroadcast v0, $0x1  }
0x15: {  	v3 =	vld.idx.msk [tilespmem:v59+s2+$0x0], $0xffff;
	v13 =	vbroadcast v2, $0x1;
	v15 =	vbroadcast v1, $0x1  }
0x16: {  	s29 =	sshll.u32 s1, $0x7;
	v5 =	vld.idx.msk [tilespmem:v7+s2+$0x0], $0xffff;
	v34 =	vbroadcast v0, $0x2;
	v35 =	vbroadcast v2, $0x2  }
0x17: {  	v31 =	vmov s29;
	v39 =	vbroadcast v1, $0x2;
	v43 =	vbroadcast v0, $0x3  }
0x18: {  	vm0 =	vmmov $0xf;
	v44 =	vbroadcast v2, $0x3;
	v45 =	vbroadcast v1, $0x3  }
0x19: {  	v21 =	vbroadcast v1, $0x4;
	v9 =	vsub.f32 v0, v60;
	v10 =	vsub.f32 v2, v61  }
0x1a: {  	v57 =	vbroadcast v0, $0x5;
	v11 =	vsub.f32 v1, v8;
	v6 =	vsub.f32 v4, v60  }
0x1b: {  	v58 =	vbroadcast v2, $0x5;
	v7 =	vsub.f32 v5, v61;
	v8 =	vsub.f32 v3, v8  }
0x1c: {  	v24 =	vbroadcast v0, $0x7;
	v62 =	vsub.f32 v0, v12;
	v14 =	vsub.f32 v2, v13  }
0x1d: {  	v25 =	vbroadcast v2, $0x7;
	v16 =	vsub.f32 v1, v15;
	v18 =	vsub.f32 v4, v12  }
0x1e: {  	v27 =	vbroadcast v1, $0x7;
	v33 =	vsub.f32 v5, v13;
	v36 =	vsub.f32 v3, v15  }
0x1f: {  	v30 =	vbroadcast v0, $0xA;
	v37 =	vsub.f32 v0, v34;
	v38 =	vsub.f32 v2, v35  }
0x20: {  	v12 =	vsub.f32 v4, v34;
	v13 =	vsub.f32 v5, v35;
	v34 =	vbroadcast v1, $0xA  }
0x21: {  	v17 =	vsub.f32 v1, v39;
	v9 =	vmul.f32 v9, v9;
	v10 =	vmul.f32 v10, v10  }
0x22: {  	v46 =	vsub.f32 v0, v43;
	v6 =	vmul.f32 v6, v6;
	v7 =	vmul.f32 v7, v7  }
0x23: {  	v47 =	vsub.f32 v2, v44;
	v11 =	vmul.f32 v11, v11;
	v8 =	vmul.f32 v8, v8  }
0x24: {  	v48 =	vsub.f32 v1, v45;
	v14 =	vmul.f32 v14, v14;
	v32 =	vmul.f32 v16, v16  }
0x25: {  	v50 =	vsub.f32 v1, v21;
	v15 =	vmul.f32 v38, v38;
	v12 =	vmul.f32 v12, v12  }
0x26: {  	v26 =	vsub.f32 v2, v25;
	v13 =	vmul.f32 v13, v13;
	v40 =	vmul.f32 v36, v36  }
0x27: {  	v59 =	vsub.f32 v0, v57;
	v41 =	vmul.f32 v17, v17;
	v17 =	vmul.f32 v47, v47  }
0x28: {  	v16 =	vsub.f32 v3, v39;
	v22 =	vmul.f32 v48, v48;
	v26 =	vmul.f32 v26, v26  }
0x29: {  	v38 =	vbroadcast v2, $0xD;
	v9 =	vadd.f32 v10, v9;
	v7 =	vadd.f32 v7, v6  }
0x2a: {  	v10 =	vmul.f32 v62, v62;
	v12 =	vadd.f32 v13, v12;
	v42 =	vmul.f32 v16, v16  }
0x2b: {  	v16 =	vsub.f32 v5, v44;
	v13 =	vsub.f32 v3, v45;
	v62 =	vbroadcast v1, $0x6  }
0x2c: {  	v44 =	vbroadcast v0, $0xC;
	v45 =	vbroadcast v2, $0xC;
	v53 =	vadd.f32 v11, v9  }
0x2d: {  	v63 =	vadd.f32 v8, v7;
	v8 =	vmul.f32 v18, v18;
	v11 =	vmul.f32 v33, v33  }
0x2e: {  	v19 =	vadd.f32 v14, v10;
	v10 =	vmul.f32 v37, v37;
	v14 =	vmul.f32 v46, v46  }
0x2f: {  	v39 =	vsub.f32 v2, v38;
	v18 =	vbroadcast v0, $0x4;
	v16 =	vmul.f32 v16, v16  }
0x30: {  	v12 =	vadd.f32 v42, v12;
	v13 =	vmul.f32 v13, v13;
	v7 =	vbroadcast v2, $0xB  }
0x31: {  	v9 =	vsub.f32 v3, v34;
	v46 =	vbroadcast v1, $0xC;
	v47 =	vsub.f32 v0, v44  }
0x32: {  	v48 =	vsub.f32 v2, v45;
	v37 =	vbroadcast v0, $0xD;
	v52 =	vadd.f32 v32, v19  }
0x33: {  	v39 =	vmul.f32 v39, v39;
	v8 =	vadd.f32 v11, v8;
	v10 =	vadd.f32 v15, v10  }
0x34: {  	v54 =	vnsel vm0, $0x7149F2CA, v63;
	v15 =	vsub.f32 v4, v43;
	v14 =	vadd.f32 v17, v14  }
0x35: {  	v19 =	vbroadcast v2, $0x4;
	v49 =	vsub.f32 v0, v18;
	v51 =	vsub.f32 v4, v18  }
0x36: {  	v18 =	vsub.f32 v4, v57;
	v63 =	vsub.f32 v1, v62;
	v32 =	vbroadcast v2, $0xA  }
0x37: {  	v11 =	vadd.f32 v40, v8;
	v8 =	vadd.f32 v41, v10;
	v15 =	vmul.f32 v15, v15  }
0x38: {  	v20 =	vsub.f32 v2, v19;
	v17 =	vmul.f32 v49, v49;
	v56 =	vsub.f32 v5, v19  }
0x39: {  	v19 =	vsub.f32 v5, v58;
	v18 =	vmul.f32 v18, v18;
	v28 =	vmul.f32 v63, v63  }
0x3a: {  	v33 =	vsub.f32 v2, v32;
	v40 =	vsub.f32 v2, v7;
	v41 =	vbroadcast v1, $0xB  }
0x3b: {  	v49 =	vsub.f32 v0, v37;
	v10 =	vnsel vm0, $0x7149F2CA, v11;
	v15 =	vadd.f32 v16, v15  }
0x3c: {  	v20 =	vmul.f32 v20, v20;
	v11 =	vnsel vm0, $0x7149F2CA, v12;
	v12 =	vadd.f32 v22, v14  }
0x3d: {  	v16 =	vmul.f32 v50, v50;
	v14 =	vmul.f32 v51, v51;
	v36 =	vsub.f32 v1, v41  }
0x3e: {  	v22 =	vbroadcast v1, $0x5;
	v15 =	vadd.f32 v13, v15;
	v55 =	vadd.f32 v20, v17  }
0x3f: {  	v19 =	vmul.f32 v19, v19;
	v20 =	vsub.f32 v3, v21;
	v21 =	vsub.f32 v2, v58  }
0x40: {  	v33 =	vmul.f32 v33, v33;
	v23 =	vsub.f32 v1, v22;
	v22 =	vsub.f32 v3, v22  }
0x41: {  	v17 =	vmul.f32 v56, v56;
	v18 =	vadd.f32 v19, v18;
	v19 =	vsub.f32 v3, v62  }
0x42: {  	v42 =	vmul.f32 v36, v36;
	v36 =	vmul.f32 v48, v48;
	v56 =	vsub.f32 v4, v37  }
0x43: {  	v48 =	vbroadcast v0, $0xF;
	v13 =	vadd.f32 v16, v55;
	v16 =	vmul.f32 v59, v59  }
0x44: {  	v58 =	vsub.f32 v5, v38;
	v21 =	vmul.f32 v21, v21;
	v60 =	vmul.f32 v20, v20  }
0x45: {  	v14 =	vadd.f32 v17, v14;
	v20 =	vmul.f32 v23, v23;
	v61 =	vmul.f32 v22, v22  }
0x46: {  	v22 =	vbroadcast v2, $0x6;
	v19 =	vmul.f32 v19, v19;
	v16 =	vadd.f32 v21, v16  }
0x47: {  	v17 =	vadd.f32 v60, v14;
	v21 =	vbroadcast v0, $0x6;
	v18 =	vadd.f32 v61, v18  }
0x48: {  	v59 =	vbroadcast v0, $0xE;
	v23 =	vsub.f32 v2, v22;
	v22 =	vsub.f32 v5, v22  }
0x49: {  	v60 =	vbroadcast v2, $0xE;
	v14 =	vadd.f32 v20, v16;
	v20 =	vsub.f32 v0, v21  }
0x4a: {  	v37 =	vsub.f32 v4, v59;
	v21 =	vsub.f32 v4, v21;
	v23 =	vmul.f32 v23, v23  }
0x4b: {  	v22 =	vmul.f32 v22, v22;
	v38 =	vsub.f32 v5, v60;
	v20 =	vmul.f32 v20, v20  }
0x4c: {  	v16 =	vnsel vm0, $0x7149F2CA, v17;
	v37 =	vmul.f32 v37, v37;
	v21 =	vmul.f32 v21, v21  }
0x4d: {  	v38 =	vmul.f32 v38, v38;
	v20 =	vadd.f32 v23, v20;
	v23 =	vsub.f32 v0, v24  }
0x4e: {  	v17 =	vnsel vm0, $0x7149F2CA, v18;
	v21 =	vadd.f32 v22, v21;
	v22 =	vsub.f32 v1, v27  }
0x4f: {  	v37 =	vadd.f32 v38, v37;
	v23 =	vmul.f32 v23, v23;
	v18 =	vadd.f32 v28, v20  }
0x50: {  	v21 =	vadd.f32 v19, v21;
	v20 =	vsub.f32 v4, v24;
	v22 =	vmul.f32 v22, v22  }
0x51: {  	v24 =	vbroadcast v0, $0x8;
	v28 =	vbroadcast v1, $0x8;
	v6 =	vadd.f32 v26, v23  }
0x52: {  	v23 =	vsub.f32 v5, v25;
	v25 =	vbroadcast v2, $0x8;
	v26 =	vsub.f32 v3, v27  }
0x53: {  	v15 =	vnsel vm0, $0x7149F2CA, v15;
	v29 =	vsub.f32 v1, v28;
	v19 =	vadd.f32 v22, v6  }
0x54: {  	v20 =	vmul.f32 v20, v20;
	v22 =	vsub.f32 v0, v24;
	v27 =	vsub.f32 v2, v25  }
0x55: {  	v23 =	vmul.f32 v23, v23;
	v24 =	vsub.f32 v4, v24;
	v25 =	vsub.f32 v5, v25  }
0x56: {  	v28 =	vsub.f32 v3, v28;
	v22 =	vmul.f32 v22, v22;
	v27 =	vmul.f32 v27, v27  }
0x57: {  	v6 =	vsub.f32 v0, v59;
	v24 =	vmul.f32 v24, v24;
	v25 =	vmul.f32 v25, v25  }
0x58: {  	v20 =	vadd.f32 v23, v20;
	v23 =	vmul.f32 v26, v26;
	v26 =	vmul.f32 v29, v29  }
0x59: {  	v22 =	vadd.f32 v27, v22;
	v24 =	vadd.f32 v25, v24;
	v25 =	vmul.f32 v28, v28  }
0x5a: {  	v23 =	vadd.f32 v23, v20;
	v27 =	vbroadcast v0, $0x9;
	v28 =	vbroadcast v2, $0x9  }
0x5b: {  	v21 =	vnsel vm0, $0x7149F2CA, v21;
	v20 =	vadd.f32 v26, v22;
	v24 =	vadd.f32 v25, v24  }
0x5c: {  	v25 =	vbroadcast v1, $0x9;
	v26 =	vsub.f32 v0, v27;
	v29 =	vsub.f32 v2, v28  }
0x5d: {  	v55 =	vnsel vm0, $0x7149F2CA, v23;
	v27 =	vsub.f32 v4, v27;
	v28 =	vsub.f32 v5, v28  }
0x5e: {  	v23 =	vsub.f32 v1, v25;
	v26 =	vmul.f32 v26, v26;
	v29 =	vmul.f32 v29, v29  }
0x5f: {  	v25 =	vsub.f32 v3, v25;
	v27 =	vmul.f32 v27, v27;
	v28 =	vmul.f32 v28, v28  }
0x60: {  	v24 =	vnsel vm0, $0x7149F2CA, v24;
	v26 =	vadd.f32 v29, v26;
	v29 =	vsub.f32 v0, v30  }
0x61: {  	v35 =	vmul.f32 v23, v23;
	v27 =	vadd.f32 v28, v27;
	v25 =	vmul.f32 v25, v25  }
0x62: {  	v28 =	vsub.f32 v1, v34;
	v34 =	vmul.f32 v40, v40;
	v40 =	vbroadcast v1, $0xD  }
0x63: {  	v29 =	vmul.f32 v29, v29;
	v23 =	vadd.f32 v35, v26;
	v27 =	vadd.f32 v25, v27  }
0x64: {  	v26 =	vsub.f32 v4, v30;
	v28 =	vmul.f32 v28, v28;
	v35 =	vsub.f32 v3, v41  }
0x65: {  	v30 =	vbroadcast v0, $0xB;
	v50 =	vsub.f32 v1, v40;
	v63 =	vsub.f32 v3, v40  }
0x66: {  	v25 =	vadd.f32 v33, v29;
	v29 =	vsub.f32 v5, v32;
	v26 =	vmul.f32 v26, v26  }
0x67: {  	v32 =	vsub.f32 v5, v7;
	v43 =	vmul.f32 v35, v35;
	v35 =	vsub.f32 v5, v45  }
0x68: {  	v33 =	vmul.f32 v47, v47;
	v7 =	vsub.f32 v2, v60;
	v45 =	vmul.f32 v63, v63  }
0x69: {  	v63 =	vbroadcast v3, $0x0;
	v25 =	vadd.f32 v28, v25;
	v28 =	vsub.f32 v0, v30  }
0x6a: {  	v29 =	vmul.f32 v29, v29;
	v30 =	vsub.f32 v4, v30;
	v32 =	vmul.f32 v32, v32  }
0x6b: {  	v33 =	vadd.f32 v36, v33;
	v35 =	vmul.f32 v35, v35;
	v36 =	vmul.f32 v49, v49  }
0x6c: {  	v27 =	vnsel vm0, $0x7149F2CA, v27;
	v40 =	vmul.f32 v7, v7;
	v28 =	vmul.f32 v28, v28  }
0x6d: {  	v30 =	vmul.f32 v30, v30;
	v26 =	vadd.f32 v29, v26;
	v29 =	vmul.f32 v9, v9  }
0x6e: {  	v49 =	vbroadcast v2, $0xF;
	v57 =	vadd.f32 v39, v36;
	v28 =	vadd.f32 v34, v28  }
0x6f: {  	v9 =	vbroadcast v1, $0xE;
	v30 =	vadd.f32 v32, v30;
	v29 =	vadd.f32 v29, v26  }
0x70: {  	v36 =	vmul.f32 v58, v58;
	v34 =	vsub.f32 v4, v44;
	v32 =	vsub.f32 v3, v46  }
0x71: {  	v28 =	vadd.f32 v42, v28;
	v61 =	vnsel vm0, $0x7149F2CA, v29;
	v29 =	vsub.f32 v1, v46  }
0x72: {  	v30 =	vadd.f32 v43, v30;
	v34 =	vmul.f32 v34, v34;
	v32 =	vmul.f32 v32, v32  }
0x73: {  	v42 =	vsub.f32 v1, v9;
	v43 =	vbroadcast v4, $0x0;
	v41 =	vmul.f32 v29, v29  }
0x74: {  	v34 =	vadd.f32 v35, v34;
	v62 =	vnsel vm0, $0x7149F2CA, v30;
	v35 =	vmul.f32 v50, v50  }
0x75: {  	v46 =	vmul.f32 v42, v42;
	v50 =	vsub.f32 v0, v48;
	v30 =	vadd.f32 v41, v33  }
0x76: {  	[tilespmem:$0x1400] =	vst v53;
	v51 =	vadd.f32 v32, v34;
	v32 =	vadd.f32 v35, v57;
	v34 =	vmul.f32 v56, v56  }
0x77: {  	[tilespmem:$0x1480] =	vst v54;
	v35 =	vmul.f32 v6, v6;
	v41 =	vsub.f32 v3, v9;
	v6 =	vsub.f32 v0, v43  }
0x78: {  	[tilespmem:$0x1500] =	vst v52;
	v56 =	vbroadcast v1, $0xF;
	v43 =	vsub.f32 v4, v43;
	v34 =	vadd.f32 v36, v34  }
0x79: {  	[tilespmem:$0x1600] =	vst v8;
	v35 =	vadd.f32 v40, v35;
	v22 =	vnsel vm0, $0x7149F2CA, v51;
	v51 =	vsub.f32 v2, v49  }
0x7a: {  	[tilespmem:$0x1580] =	vst v10;
	v47 =	vmul.f32 v41, v41;
	v40 =	vsub.f32 v4, v48;
	v41 =	vsub.f32 v5, v49  }
0x7b: {  	[tilespmem:$0x1680] =	vst v11;
	v44 =	vbroadcast v5, $0x0;
	v59 =	vsub.f32 v1, v56;
	v42 =	vsub.f32 v3, v56  }
0x7c: {  	[tilespmem:$0x1700] =	vst v12;
	v57 =	vmul.f32 v50, v50;
	v36 =	vadd.f32 v45, v34;
	v7 =	vadd.f32 v46, v35  }
0x7d: {  	[tilespmem:$0x1780] =	vst v15;
	v37 =	vadd.f32 v47, v37;
	v58 =	vmul.f32 v51, v51;
	v40 =	vmul.f32 v40, v40  }
0x7e: {  	[tilespmem:$0x1800] =	vst v13;
	v41 =	vmul.f32 v41, v41;
	v39 =	vmul.f32 v59, v59;
	v45 =	vsub.f32 v2, v44  }
0x7f: {  	[tilespmem:$0x1880] =	vst v16;
	v42 =	vmul.f32 v42, v42;
	v46 =	vsub.f32 v1, v63;
	v34 =	vmul.f32 v43, v43  }
0x80: {  	[tilespmem:$0x1980] =	vst v17;
	v44 =	vsub.f32 v5, v44;
	v51 =	vbroadcast v3, $0x1;
	v47 =	vbroadcast v4, $0x2  }
0x81: {  	[tilespmem:$0x1900] =	vst v14;
	v26 =	vnsel vm0, $0x7149F2CA, v36;
	v9 =	vnsel vm0, $0x7149F2CA, v37;
	v37 =	vadd.f32 v58, v57  }
0x82: {  	[tilespmem:$0x1A00] =	vst v18;
	v60 =	vadd.f32 v41, v40;
	v41 =	vmul.f32 v6, v6;
	v45 =	vmul.f32 v45, v45  }
0x83: {  	[tilespmem:$0x1A80] =	vst v21;
	v33 =	vmul.f32 v46, v46;
	v40 =	vsub.f32 v3, v63;
	v63 =	vsub.f32 v1, v51  }
0x84: {  	[tilespmem:$0x1B00] =	vst v19;
	v35 =	vmul.f32 v44, v44;
	v46 =	vsub.f32 v3, v51;
	v57 =	vadd.f32 v39, v37  }
0x85: {  	[tilespmem:$0x1B80] =	vst v55;
	v36 =	vbroadcast v4, $0x1;
	v38 =	vadd.f32 v42, v60;
	v41 =	vadd.f32 v45, v41  }
0x86: {  	[tilespmem:$0x1C00] =	vst v20;
	v37 =	vbroadcast v5, $0x1;
	v48 =	vadd.f32 v35, v34;
	v40 =	vmul.f32 v40, v40  }
0x87: {  	[tilespmem:$0x1C80] =	vst v24;
	v49 =	vsub.f32 v0, v36;
	v44 =	vsub.f32 v4, v36;
	v43 =	vmul.f32 v63, v63  }
0x88: {  	[tilespmem:$0x1D00] =	vst v23;
	v34 =	vsub.f32 v0, v47;
	v46 =	vmul.f32 v46, v46;
	v47 =	vsub.f32 v4, v47  }
0x89: {  	[tilespmem:$0x1D80] =	vst v27;
	v39 =	vbroadcast v4, $0x3;
	v58 =	vadd.f32 v33, v41;
	v50 =	vsub.f32 v2, v37  }
0x8a: {  	[tilespmem:$0x1E00] =	vst v25;
	v45 =	vsub.f32 v5, v37;
	v59 =	vmul.f32 v49, v49;
	v44 =	vmul.f32 v44, v44  }
0x8b: {  	[tilespmem:$0x1E80] =	vst v61;
	v41 =	vadd.f32 v40, v48;
	v48 =	vbroadcast v5, $0x2;
	v33 =	vbroadcast v3, $0x2  }
0x8c: {  	[tilespmem:$0x1F00] =	vst v28;
	v56 =	vnsel vm0, $0x7149F2CA, v38;
	v37 =	vmul.f32 v47, v47;
	v60 =	vmul.f32 v50, v50  }
0x8d: {  	[tilespmem:$0x1F80] =	vst v62;
	v45 =	vmul.f32 v45, v45;
	v49 =	vsub.f32 v2, v48;
	v50 =	vsub.f32 v1, v33  }
0x8e: {  	[tilespmem:$0x2000] =	vst v30;
	v48 =	vsub.f32 v5, v48;
	v29 =	vnsel vm0, $0x7149F2CA, v41;
	v40 =	vadd.f32 v60, v59  }
0x8f: {  	[tilespmem:$0x2100] =	vst v32;
	v6 =	vadd.f32 v45, v44;
	v45 =	vmul.f32 v34, v34;
	v49 =	vmul.f32 v49, v49  }
0x90: {  	[tilespmem:$0x2080] =	vst v22;
	v38 =	vmul.f32 v48, v48;
	v44 =	vsub.f32 v3, v33;
	v48 =	vsub.f32 v4, v39  }
0x91: {  	[tilespmem:$0x2200] =	vst v7;
	v36 =	vmul.f32 v50, v50;
	v59 =	vadd.f32 v43, v40;
	v45 =	vadd.f32 v49, v45  }
0x92: {  	[tilespmem:$0x2180] =	vst v26;
	v35 =	vadd.f32 v46, v6;
	v40 =	vbroadcast v5, $0x3;
	v6 =	vadd.f32 v38, v37  }
0x93: {  	[tilespmem:$0x2280] =	vst v9;
	v38 =	vbroadcast v3, $0x3;
	v60 =	vadd.f32 v36, v45;
	v36 =	vsub.f32 v0, v39  }
0x94: {  	[tilespmem:$0x2300] =	vst v57;
	v44 =	vmul.f32 v44, v44;
	v37 =	vsub.f32 v2, v40;
	v49 =	vsub.f32 v5, v40  }
0x95: {  	[tilespmem:$0x2380] =	vst v56;
	v48 =	vmul.f32 v48, v48;
	v51 =	vsub.f32 v1, v38;
	v46 =	vmul.f32 v36, v36  }
0x96: {  	[tilespmem:$0x2400] =	vst v58;
	v50 =	vsub.f32 v3, v38;
	v47 =	vmul.f32 v37, v37;
	v49 =	vmul.f32 v49, v49  }
0x97: {  	[tilespmem:$0x2480] =	vst v29;
	v34 =	vnsel vm0, $0x7149F2CA, v35;
	v44 =	vadd.f32 v44, v6;
	v40 =	vmul.f32 v51, v51  }
0x98: {  	[tilespmem:$0x2500] =	vst v59;
	v42 =	vmul.f32 v50, v50;
	v39 =	vadd.f32 v47, v46;
	v41 =	vadd.f32 v49, v48  }
0x99: {  	v43 =	vor.u32 $0x1, v31;
	[tilespmem:$0x2580] =	vst v34  }
0x9a: {  	v63 =	vnsel vm0, $0x7149F2CA, v44;
	[tilespmem:$0x2600] =	vst v60;
	v6 =	vadd.f32 v40, v39;
	v33 =	vadd.f32 v42, v41  }
0x9b: {  	[tilespmem:$0x2680] =	vst v63  }
0x9c: {  	v35 =	vor.u32 $0x2, v31;
	v38 =	vnsel vm0, $0x7149F2CA, v33;
	[tilespmem:$0x2700] =	vst v6  }
0x9d: {  	[tilespmem:$0x2780] =	vst v38  }
0x9e: {  	v31 =	vld.idx.msk [tilespmem:v31+s2+$0x0], $0xffff  }
0x9f: {  	v40 =	vld.idx.msk [tilespmem:v43+s2+$0x0], $0xffff;
	_ =	sdelay $0x1  }
0xa0: {  	v47 =	vld.idx.msk [tilespmem:v35+s2+$0x0], $0xffff;
	_ =	sdelay $0x2  }
0xa1: {  	v41 =	vsub.f32 v0, v31;
	v42 =	vsub.f32 v2, v40  }
0xa2: {  	[tilespmem:$0x1FE70] =	vst v0  }
0xa3: {  	[tilespmem:$0x1FE80] =	vst v2;
	v43 =	vsub.f32 v1, v47;
	v49 =	vmul.f32 v41, v41;
	v50 =	vmul.f32 v42, v42  }
0xa4: {  	[tilespmem:$0x1FE90] =	vst v1;
	v31 =	vsub.f32 v4, v31;
	v48 =	vsub.f32 v5, v40  }
0xa5: {  	[tilespmem:$0x1FEA0] =	vst v4;
	v51 =	vmul.f32 v43, v43;
	v49 =	vadd.f32 v50, v49  }
0xa6: {  	[tilespmem:$0x1FEC0] =	vst v3;
	v47 =	vsub.f32 v3, v47;
	v31 =	vmul.f32 v31, v31;
	v48 =	vmul.f32 v48, v48  }
0xa7: {  	[tilespmem:$0x1FEB0] =	vst v5;
	v49 =	vadd.f32 v51, v49  }
0xa8: {  	[tilespmem:$0x1FEE0] =	vst v53;
	v47 =	vmul.f32 v47, v47;
	v31 =	vadd.f32 v48, v31  }
0xa9: {  	[tilespmem:$0x1FEF0] =	vst v54;
	v0 =	vbroadcast v49, $0x1  }
0xaa: {  	s4 =	sor.u32 $0x400, s29;
	[tilespmem:$0x1FED0] =	vst v52;
	v31 =	vadd.f32 v47, v31;
	v1 =	vbroadcast v49, $0x0;
	v51 =	vbroadcast v49, $0x3  }
0xab: {  	[tilespmem:$0x1FF10] =	vst v8;
	v48 =	vmov s4;
	v2 =	vbroadcast v49, $0x2;
	v4 =	vbroadcast v49, $0x5  }
0xac: {  	[tilespmem:$0x1FF00] =	vst v10;
	v31 =	vnsel vm0, $0x7149F2CA, v31;
	v35 =	vbroadcast v49, $0xB;
	v36 =	vbroadcast v49, $0xA  }
0xad: {  	[tilespmem:$0x1FF20] =	vst v11;
	v52 =	vmax.f32 v0, v52;
	v53 =	vmax.f32 v1, v53;
	v50 =	vmax.f32 v1, v54  }
0xae: {  	[tilespmem:$0x1FF30] =	vst v12;
	v47 =	vmax.f32 v0, v10;
	v3 =	vmax.f32 v2, v8;
	v5 =	vmax.f32 v2, v11  }
0xaf: {  	[tilespmem:$0x1FF40] =	vst v15;
	v8 =	vbroadcast v49, $0x4;
	v10 =	vmax.f32 v51, v12;
	v11 =	vbroadcast v49, $0x6  }
0xb0: {  	[tilespmem:$0x1FF60] =	vst v13;
	v51 =	vmax.f32 v51, v15;
	v15 =	vbroadcast v49, $0x7;
	v1 =	vbroadcast v49, $0xC  }
0xb1: {  	[tilespmem:$0x1FF50] =	vst v16;
	v2 =	vmax.f32 v36, v61;
	v53 =	vmin.f32 v49, v53;
	v50 =	vmin.f32 v31, v50  }
0xb2: {  	[tilespmem:$0x1FF80] =	vst v17;
	v52 =	vmin.f32 v53, v52;
	v47 =	vmin.f32 v50, v47;
	v12 =	vmax.f32 v8, v16  }
0xb3: {  	[tilespmem:$0x1FF70] =	vst v14;
	v54 =	vmax.f32 v8, v13;
	v13 =	vmax.f32 v4, v14;
	v14 =	vbroadcast v49, $0x8  }
0xb4: {  	[tilespmem:$0x1FF90] =	vst v18;
	v53 =	vmax.f32 v4, v17;
	v16 =	vmax.f32 v11, v18;
	v17 =	vbroadcast v49, $0x9  }
0xb5: {  	[tilespmem:$0x1FFA0] =	vst v21;
	v18 =	vmax.f32 v15, v55;
	v4 =	vbroadcast v49, $0xD;
	v8 =	vmax.f32 v1, v30  }
0xb6: {  	v45 =	vmovc v61;
	v50 =	vmin.f32 v52, v3;
	v47 =	vmin.f32 v47, v5;
	v52 =	vmax.f32 v11, v21  }
0xb7: {  	[tilespmem:$0x1FFC0] =	vst v19;
	v37 =	vmovc v20;
	v44 =	vmovc v27;
	v3 =	vmax.f32 v35, v28;
	v5 =	vor.u32 $0x2, v48;
	v11 =	vbroadcast v49, $0xE  }
0xb8: {  	v46 =	vmovc v62;
	v39 =	vmovc v6;
	v49 =	vbroadcast v49, $0xF;
	v50 =	vmin.f32 v50, v10;
	v47 =	vmin.f32 v47, v51  }
0xb9: {  	v40 =	vmovc v24;
	v33 =	vmax.f32 v14, v20;
	v51 =	vmax.f32 v14, v24;
	v0 =	vmax.f32 v17, v23  }
0xba: {  	v41 =	vmovc v23;
	v10 =	vmax.f32 v4, v32;
	v50 =	vmin.f32 v50, v54;
	v47 =	vmin.f32 v47, v12  }
0xbb: {  	v42 =	vmovc v25;
	v43 =	vmovc v28;
	v54 =	vmax.f32 v15, v19;
	v12 =	vbroadcast v31, $0x0;
	v14 =	vmax.f32 v49, v57  }
0xbc: {  	[tilespmem:$0x1FFB0] =	vst v55;
	v28 =	vmovc v57;
	v23 =	vmovc v30;
	v15 =	vor.u32 $0x1, v48;
	v49 =	vmax.f32 v49, v56;
	v19 =	vbroadcast v31, $0x3  }
0xbd: {  	v24 =	vmovc v26;
	v50 =	vmin.f32 v50, v13;
	v47 =	vmin.f32 v47, v53;
	v53 =	vmax.f32 v17, v27  }
0xbe: {  	v30 =	vmovc v29;
	v13 =	vmax.f32 v11, v9;
	v50 =	vmin.f32 v50, v16;
	v47 =	vmin.f32 v47, v52  }
0xbf: {  	v27 =	vmovc v9;
	v52 =	vmax.f32 v35, v62;
	v16 =	vbroadcast v31, $0x1;
	v17 =	vmax.f32 v12, v58;
	v35 =	vmovc v34  }
0xc0: {  	v50 =	vmin.f32 v50, v54;
	v47 =	vmin.f32 v47, v18;
	v54 =	vmax.f32 v36, v25;
	v25 =	vmovc v22  }
0xc1: {  	v18 =	vbroadcast v31, $0x2;
	v62 =	vld.idx.msk [tilespmem:v5+s2+$0x0], $0xffff;
	v36 =	vmovc v38;
	v50 =	vmin.f32 v50, v33;
	v47 =	vmin.f32 v47, v51  }
0xc2: {  	v51 =	vmax.f32 v1, v22;
	v22 =	vmovc v32;
	v32 =	vmovc v56;
	v33 =	vmov v58;
	v50 =	vmin.f32 v50, v0  }
0xc3: {  	v57 =	vmax.f32 v16, v59;
	v58 =	vld.idx.msk [tilespmem:v48+s2+$0x0], $0xffff;
	v47 =	vmin.f32 v47, v53;
	v50 =	vmin.f32 v50, v54  }
0xc4: {  	v53 =	vmax.f32 v4, v26;
	v26 =	vmovc v7;
	v47 =	vmin.f32 v47, v2;
	v50 =	vmin.f32 v50, v3  }
0xc5: {  	v61 =	vld.idx.msk [tilespmem:v15+s2+$0x0], $0xffff;
	v47 =	vmin.f32 v47, v52;
	v52 =	vmax.f32 v12, v29;
	v50 =	vmin.f32 v50, v8  }
0xc6: {  	v29 =	vmovc v59;
	v47 =	vmin.f32 v47, v51;
	v51 =	vmax.f32 v11, v7;
	v50 =	vmin.f32 v50, v10  }
0xc7: {  	v59 =	vmax.f32 v16, v34;
	v34 =	vmovc v60;
	v47 =	vmin.f32 v47, v53;
	v50 =	vmin.f32 v50, v51  }
0xc8: {  	v60 =	vmax.f32 v18, v60;
	[tilespmem:$0x1FFF0] =	vst v62;
	v47 =	vmin.f32 v47, v13;
	v50 =	vmin.f32 v50, v14  }
0xc9: {  	s30 =	sshll.u32 s1, $0x4;
	[tilespmem:$0x1FFD0] =	vst v58;
	v53 =	vmax.f32 v19, v6;
	v47 =	vmin.f32 v47, v49;
	v49 =	vmin.f32 v50, v17  }
0xca: {  	s31 =	sadd.s32 s30, s3;
	[tilespmem:$0x1FFE0] =	vst v61;
	v47 =	vmin.f32 v47, v52;
	v50 =	vmax.f32 v18, v63;
	v49 =	vmin.f32 v49, v57  }
0xcb: {  	s3 =	sadd.s32 $0xA00, s31;
	s2 =	simm.s32 $0x12;
	v51 =	vmin.f32 v47, v59;
	v52 =	vmin.f32 v49, v60;
	v49 =	vmax.f32 v19, v38;
	v38 =	vmovc v63  }
.LBB2_2:
0xcc: {  	v20 =	vld [tilespmem:$0x1FEE0]  }
0xcd: {  	v0 =	vld [tilespmem:$0x1FED0]  }
0xce: {  	v50 =	vmin.f32 v51, v50;
	v51 =	vmin.f32 v52, v53  }
0xcf: {  	v14 =	vbroadcast v51, $0x0  }
0xd0: {  	v52 =	vbroadcast v51, $0x1  }
0xd1: {  	v21 =	vld [tilespmem:$0x1FEF0];
	v20 =	vmax.f32 v14, v20  }
0xd2: {  	v54 =	vmin.f32 v50, v49;
	v50 =	vld [tilespmem:$0x1FF00];
	v57 =	vmax.f32 v52, v0;
	v20 =	vmin.f32 v51, v20  }
0xd3: {  	v20 =	vmin.f32 v20, v57;
	v57 =	vld [tilespmem:$0x1FF10];
	_ =	sdelay $0x2  }
0xd4: {  	v14 =	vmax.f32 v14, v21;
	v21 =	vbroadcast v51, $0x2  }
0xd5: {  	v52 =	vmax.f32 v52, v50;
	v14 =	vmin.f32 v54, v14  }
0xd6: {  	v14 =	vmin.f32 v14, v52;
	v52 =	vmax.f32 v21, v57;
	v57 =	vld [tilespmem:$0x1FF20];
	_ =	sdelay $0x4  }
0xd7: {  	v53 =	vbroadcast v51, $0x8;
	v55 =	vbroadcast v51, $0x3;
	v21 =	vmax.f32 v21, v57;
	v57 =	vld [tilespmem:$0x1FF30]  }
0xd8: {  	v58 =	vbroadcast v51, $0x5;
	v60 =	vbroadcast v51, $0x7  }
0xd9: {  	v11 =	vld [tilespmem:$0x1FF50];
	v62 =	vbroadcast v51, $0x9;
	v63 =	vbroadcast v51, $0xE  }
0xda: {  	v17 =	vld [tilespmem:$0x1FF40];
	v31 =	vbroadcast v51, $0xB;
	v47 =	vbroadcast v51, $0xC  }
0xdb: {  	v3 =	vbroadcast v51, $0xA;
	v4 =	vbroadcast v51, $0xD;
	v14 =	vmin.f32 v14, v21;
	v21 =	vld [tilespmem:$0x1FF60]  }
0xdc: {  	v1 =	vbroadcast v51, $0xF;
	v20 =	vmin.f32 v20, v52;
	v52 =	vmax.f32 v55, v57;
	v57 =	vld [tilespmem:$0x1FF70]  }
0xdd: {  	v2 =	vbroadcast v51, $0x4;
	v8 =	vbroadcast v51, $0x6  }
0xde: {  	v56 =	vbroadcast v54, $0x3;
	v59 =	vbroadcast v54, $0x2  }
0xdf: {  	v61 =	vbroadcast v54, $0x0;
	v19 =	vbroadcast v54, $0x1;
	v11 =	vmax.f32 v2, v11  }
0xe0: {  	v15 =	vld [tilespmem:$0x1FF80];
	v17 =	vmax.f32 v55, v17;
	v20 =	vmin.f32 v20, v52;
	v2 =	vmax.f32 v2, v21  }
0xe1: {  	v16 =	vld [tilespmem:$0x1FFA0];
	v14 =	vmin.f32 v14, v17;
	v2 =	vmin.f32 v20, v2;
	v17 =	vmax.f32 v58, v57  }
0xe2: {  	v5 =	vmax.f32 v62, v44;
	v6 =	vmax.f32 v4, v24;
	v2 =	vmin.f32 v2, v17;
	v17 =	vld [tilespmem:$0x1FF90]  }
0xe3: {  	v7 =	vmax.f32 v63, v27;
	v9 =	vmax.f32 v3, v45;
	v10 =	vmax.f32 v31, v46;
	v52 =	vld [tilespmem:$0x1FFC0]  }
0xe4: {  	v12 =	vld [tilespmem:$0x1FFB0];
	v13 =	vmax.f32 v53, v40;
	v18 =	vmax.f32 v1, v32;
	v53 =	vmax.f32 v53, v37  }
0xe5: {  	v3 =	vmax.f32 v3, v42;
	v1 =	vmax.f32 v1, v28;
	v49 =	vmax.f32 v56, v36  }
0xe6: {  	v48 =	vmax.f32 v61, v30;
	v61 =	vmax.f32 v61, v33;
	v15 =	vmax.f32 v58, v15  }
0xe7: {  	v16 =	vmax.f32 v8, v16;
	v11 =	vmin.f32 v14, v11;
	v8 =	vmax.f32 v8, v17  }
0xe8: {  	v11 =	vmin.f32 v11, v15;
	v2 =	vmin.f32 v2, v8;
	v8 =	vmax.f32 v60, v52  }
0xe9: {  	v12 =	vmax.f32 v60, v12;
	v11 =	vmin.f32 v11, v16;
	v2 =	vmin.f32 v2, v8  }
0xea: {  	v54 =	vmax.f32 v62, v41;
	v11 =	vmin.f32 v11, v12;
	v2 =	vmin.f32 v2, v53  }
0xeb: {  	v0 =	vmax.f32 v47, v25;
	v11 =	vmin.f32 v11, v13;
	v2 =	vmin.f32 v2, v54  }
0xec: {  	v55 =	vmax.f32 v31, v43;
	v5 =	vmin.f32 v11, v5;
	v2 =	vmin.f32 v2, v3  }
0xed: {  	v5 =	vmin.f32 v5, v9;
	v57 =	vmax.f32 v47, v23;
	v2 =	vmin.f32 v2, v55  }
0xee: {  	v5 =	vmin.f32 v5, v10;
	v58 =	vmax.f32 v4, v22;
	v2 =	vmin.f32 v2, v57  }
0xef: {  	p0 =	sne.s32 s2, $0x1;
	v0 =	vmin.f32 v5, v0;
	v60 =	vmax.f32 v63, v26;
	v2 =	vmin.f32 v2, v58  }
.Ltmp1:
0xf0: {  	v50 =	vmax.f32 v59, v38;
	v0 =	vmin.f32 v0, v6;
	v2 =	vmin.f32 v2, v60;
	(pc) =	sbr.rel @p0 .LBB2_2-.Ltmp1, $4  }
0xf1: {  	v51 =	vmax.f32 v19, v35;
	v0 =	vmin.f32 v0, v7;
	v1 =	vmin.f32 v2, v1  }
0xf2: {  	v62 =	vmax.f32 v19, v29;
	v0 =	vmin.f32 v0, v18;
	v1 =	vmin.f32 v1, v61  }
0xf3: {  	v0 =	vmin.f32 v0, v48;
	v63 =	vmax.f32 v59, v34;
	v1 =	vmin.f32 v1, v62  }
0xf4: {  	s2 =	sadd.s32 $0xFFFFFFFF, s2;
	v51 =	vmin.f32 v0, v51;
	v53 =	vmax.f32 v56, v39;
	v52 =	vmin.f32 v1, v63  }
0xf5: {  	v0 =	vld [tilespmem:$0x1FEA0]  }
0xf6: {  	v3 =	vld [tilespmem:$0x1FFD0]  }
0xf7: {  	v1 =	vld [tilespmem:$0x1FEB0]  }
0xf8: {  	v4 =	vld [tilespmem:$0x1FFE0]  }
0xf9: {  	v2 =	vld [tilespmem:$0x1FE70]  }
0xfa: {  	v48 =	vld [tilespmem:$0x1FE80]  }
0xfb: {  	v54 =	vld [tilespmem:$0x1FEC0]  }
0xfc: {  	v6 =	vld [tilespmem:$0x1FFF0]  }
0xfd: {  	v5 =	vld [tilespmem:$0x1FE90];
	_ =	sdelay $0x1  }
0xfe: {  	v0 =	vsub.f32 v0, v3;
	v1 =	vsub.f32 v1, v4  }
0xff: {  	v2 =	vsub.f32 v2, v3;
	v3 =	vsub.f32 v48, v4  }
0x100: {  	v4 =	vsub.f32 v54, v6;
	v0 =	vmul.f32 v0, v0;
	v1 =	vmul.f32 v1, v1  }
0x101: {  	v5 =	vsub.f32 v5, v6;
	v2 =	vmul.f32 v2, v2;
	v3 =	vmul.f32 v3, v3  }
0x102: {  	v55 =	vmul.f32 v4, v4;
	v0 =	vadd.f32 v1, v0  }
0x103: {  	v56 =	vmul.f32 v5, v5;
	v2 =	vadd.f32 v3, v2  }
0x104: {  	v0 =	vadd.f32 v55, v0  }
0x105: {  	v57 =	vmin.f32 v51, v50;
	v2 =	vadd.f32 v56, v2  }
0x106: {  	v58 =	vmin.f32 v52, v53;
	v1 =	vmin.f32 v57, v49;
	v0 =	vnsel vm0, $0x7149F2CA, v0  }
0x107: {  	v2 =	vmax.f32 v58, v2;
	v0 =	vmax.f32 v1, v0  }
0x108: {  	v0 =	vmin.f32 v2, v0  }
0x109: {  	(v2sf) =	vpush v0, $0x0  }
0x10a: {  	(v2sf) =	vpush v0, $0x1  }
0x10b: {  	(v2sf) =	vpush v0, $0x2  }
0x10c: {  	(v2sf) =	vpush v0, $0x3  }
0x10d: {  	(v2sf) =	vpush v0, $0x4  }
0x10e: {  	(v2sf) =	vpush v0, $0x5  }
0x10f: {  	(v2sf) =	vpush v0, $0x6  }
0x110: {  	(v2sf) =	vpush v0, $0x7  }
0x111: {  	(v2sf) =	vpush v0, $0x8  }
0x112: {  	(v2sf) =	vpush v0, $0x9  }
0x113: {  	(v2sf) =	vpush v0, $0xA  }
0x114: {  	(v2sf) =	vpush v0, $0xB  }
0x115: {  	(v2sf) =	vpush v0, $0xC  }
0x116: {  	(v2sf) =	vpush v0, $0xD  }
0x117: {  	(v2sf) =	vpush v0, $0xE  }
0x118: {  	s2 =	spop (v2sf);
	(v2sf) =	vpush v0, $0xF  }
0x119: {  	s4 =	spop (v2sf)  }
0x11a: {  	s5 =	spop (v2sf)  }
0x11b: {  	s6 =	spop (v2sf)  }
0x11c: {  	s7 =	spop (v2sf)  }
0x11d: {  	s8 =	spop (v2sf)  }
0x11e: {  	s9 =	spop (v2sf)  }
0x11f: {  	s10 =	spop (v2sf)  }
0x120: {  	s2 =	smin.f32 s2, s4;
	s11 =	spop (v2sf)  }
0x121: {  	s6 =	smin.f32 s5, s6;
	s12 =	spop (v2sf)  }
0x122: {  	s2 =	smin.f32 s2, s6;
	s13 =	spop (v2sf)  }
0x123: {  	s8 =	smin.f32 s7, s8;
	s14 =	spop (v2sf)  }
0x124: {  	s19 =	smin.f32 s9, s10;
	s15 =	spop (v2sf)  }
0x125: {  	s24 =	smin.f32 s8, s19;
	s16 =	spop (v2sf)  }
0x126: {  	s20 =	smin.f32 s11, s12;
	s17 =	spop (v2sf)  }
0x127: {  	s21 =	smin.f32 s13, s14;
	s18 =	spop (v2sf)  }
0x128: {  	s22 =	smin.f32 s15, s16;
	s23 =	smin.f32 s17, s18  }
0x129: {  	s25 =	smin.f32 s20, s21;
	s26 =	smin.f32 s22, s23  }
0x12a: {  	s2 =	smin.f32 s2, s24;
	s28 =	smin.f32 s25, s26  }
0x12b: {  	s2 =	smin.f32 s2, s28  }
0x12c: {  	v59 =	vmov s2  }
0x12d: {  	v0 =	vshra.s32 v59, $0x1  }
0x12e: {  	v0 =	vadd.s32 $0x1FBD1DF5, v0  }
0x12f: {  	(erf) = vrcp.f32 v0;
	_ =	sdelay $0x8  }
0x130: {  	v60 =	vpop (erf)  }
0x131: {  	v1 =	vmul.f32 s2, v60;
	_ =	sdelay $0x1  }
0x132: {  	v0 =	vadd.f32 v0, v1;
	_ =	sdelay $0x1  }
0x133: {  	v0 =	vmul.f32 $5.000000000e-01, v0;
	_ =	sdelay $0x1  }
0x134: {  	(erf) = vrcp.f32 v0;
	_ =	sdelay $0x8  }
0x135: {  	v61 =	vpop (erf)  }
0x136: {  	v1 =	vmul.f32 s2, v61;
	_ =	sdelay $0x1  }
0x137: {  	v0 =	vadd.f32 v1, v0;
	_ =	sdelay $0x1  }
0x138: {  	v0 =	vmul.f32 $5.000000000e-01, v0;
	_ =	sdelay $0x1  }
0x139: {  	(erf) = vrcp.f32 v0;
	_ =	sdelay $0x8  }
0x13a: {  	v62 =	vpop (erf)  }
0x13b: {  	v1 =	vmul.f32 s2, v62;
	_ =	sdelay $0x1  }
0x13c: {  	v0 =	vadd.f32 v1, v0;
	_ =	sdelay $0x1  }
0x13d: {  	v0 =	vmul.f32 $5.000000000e-01, v0;
	_ =	sdelay $0x1  }
0x13e: {  	(erf) = vrcp.f32 v0;
	_ =	sdelay $0x8  }
0x13f: {  	v63 =	vpop (erf)  }
0x140: {  	v1 =	vmul.f32 s2, v63;
	_ =	sdelay $0x1  }
0x141: {  	v0 =	vadd.f32 v1, v0;
	_ =	sdelay $0x1  }
0x142: {  	v0 =	vmul.f32 $5.000000000e-01, v0;
	_ =	sdelay $0x1  }
0x143: {  	s29 =	simm.s32 $0x0;
	s30 =	simm.s32 $0x2800;
	s31 =	simm.s32 $0x1;
	[tilespmem:$0x2800] =	vst v0  }
0x144: {  	[hbm4b:s3+s29] =	stream.linear.scatter [tilespmem:s30], [sflag:$0x1], $0x80, $0x38;
	[tilespmem:$0x2880] =	vst v63  }
0x145: {  	_ =	swait.ge [sflag:s31], $0x80  }
0x146: {  	[sflag:s31] =	ssyncset.done $0x0  }
0x147: {  	[sflag:s31] =	ssyncadd.s32 $0xFFFFFF80  }
.LBB2_4:
0x148: {  	_ =	sfence.sel $0x180000  }
0x149: {  	[bflag:$0x0] =	sbarrier.arrive $0xFFFF  }
0x14a: {  	p0 =	sne.s32 s1, $0x0;
	_ =	strace $0x90000047  }
0x14b: {  	s0 =	sadd.s32 @!p0 $0x100000, s0;
	[bflag:$0x2] =	sbarrier.arrive $0xFFFF  }
0x14c: {  	[sflag:s0] =	ssyncadd.tile.s32 @!p0 $0x1;
	_ =	shalt  }
.Lfunc_end2:
_tile_overlayer_lowered:
.L_overlay_start_2:
0x14d: {  	(tag) =	ssettag $0x2  }
0x14e: {  	s0 =	rddreg [dreg:$0x0];
	s2 =	stileid.u32  }
0x14f: {  	s1 =	rddreg [dreg:$0x1];
	p0 =	sne.s32 s2, $0x0  }
0x150: {  	s3 =	rddreg [dreg:$0x2];
	[bflag:$0x3] =	sbarrier.arrive $0xFFFF;
	s2 =	simm.s32 @!p0 $0x1C01  }
0x151: {  	[timem:s3], [sflag:s2] =	dma.local @!p0 [hbm:s0], s1  }
0x152: {  	s0 =	simm.s32 @!p0 $0x1  }
0x153: {  	_ =	swait.ge @!p0 [sflag:s0], s1  }
0x154: {  	s1 =	ssub.s32 @!p0 $0x0, s1;
	[sflag:s0] =	ssyncset.done @!p0 $0x0  }
0x155: {  	[sflag:s0] =	ssyncadd.s32 @!p0 s1  }
0x156: {  	[bflag:$0x3] =	sbarrier.arrive $0xFFFF  }
0x157: {  	_ =	shalt  }

</sc_bundles>
